<compile_context>
chip_gen: v7x
topology: tpu7x:2x2x1
jax: 0.10.2.dev20260603
libtpu: 0.0.44.dev20260713+nightly
codegen_flags: <defaults>
</compile_context>

<pallas_src>
import jax
import jax.numpy as jnp
from jax import lax
from jax.experimental import pallas as pl
from jax.experimental.pallas import tpu as pltpu
from jax.experimental.pallas import tpu_sc as plsc

N = 10000
E = 320000
D = 128
LN_EPS = 1e-5

NC = 2
NS = 16
NW = NC * NS
EPW = E // NW
K = 80
CH = EPW // K
RPT = 640
RPT_LAST = N - RPT * (NS - 1)
ZR = 80


NSLOT = 3


def _sc_propagate(x_hbm, src_hbm, dst_hbm, out_hbm,
                  acc, sidx, dbufs, rows, gsems, dsems, ssems):
    c = lax.axis_index("c")
    s = lax.axis_index("s")
    wid = s * NC + c

    off = pl.multiple_of(wid * EPW, 8)
    d_si = pltpu.async_copy(src_hbm.at[pl.ds(off, EPW)], sidx, gsems[0])

    def gidx(j, h):
        return sidx.at[pl.ds(pl.multiple_of(j * K + h * (K // 2), 8), K // 2)]

    def didx_src(j, h):
        return dst_hbm.at[
            pl.ds(pl.multiple_of(wid * EPW + j * K + h * (K // 2), 8), K // 2)]

    def didx_issue(j, b):
        for h in range(2):
            pltpu.async_copy(didx_src(j, h), dbufs[b].at[8 * h], dsems[b])

    def didx_wait(j, b):
        for h in range(2):
            pltpu.make_async_copy(didx_src(j, h), dbufs[b].at[8 * h],
                                  dsems[b]).wait()

    zv = jnp.zeros((16,), jnp.float32)

    def zfill_body(r, carry):
        for q in range(D // 16):
            rows[0][r, pl.ds(q * 16, 16)] = zv
        return carry

    lax.fori_loop(0, K, zfill_body, 0)

    n_zero = jnp.where(s < NS - 1, RPT // ZR, RPT_LAST // ZR)

    def zero_body(i, carry):
        pltpu.sync_copy(rows[0].at[pl.ds(0, ZR)],
                        acc.at[pl.ds(s * RPT + i * ZR, ZR)])
        return carry

    lax.fori_loop(0, n_zero, zero_body, 0)
    d_si.wait()

    def gather_issue(j, b):
        for h in range(2):
            pltpu.async_copy(x_hbm.at[gidx(j, h)],
                             rows[b].at[pl.ds(h * (K // 2), K // 2)],
                             gsems[b])

    def gather_wait(j, b):
        for h in range(2):
            pltpu.make_async_copy(x_hbm.at[gidx(j, h)],
                                  rows[b].at[pl.ds(h * (K // 2), K // 2)],
                                  gsems[b]).wait()

    def scatter(j, b):
        for h in range(2):
            pltpu.async_copy(rows[b].at[pl.ds(h * (K // 2), K // 2)],
                             acc.at[dbufs[b].at[8 * h]], ssems[b], add=True)
        for h in range(2):
            pltpu.make_async_copy(rows[b].at[pl.ds(h * (K // 2), K // 2)],
                                  acc.at[dbufs[b].at[8 * h]], ssems[b]).wait()

    for b in range(NSLOT):
        didx_issue(b, b)
        gather_issue(b, b)
    plsc.subcore_barrier()

    def edge_body(j, carry):
        for b in range(NSLOT):
            @pl.when(j % NSLOT == b)
            def _():
                didx_wait(j, b)
                gather_wait(j, b)
                scatter(j, b)

                @pl.when(j + NSLOT < CH)
                def _():
                    didx_issue(j + NSLOT, b)
                    gather_issue(j + NSLOT, b)
        return carry

    lax.fori_loop(0, CH, edge_body, 0)
    plsc.subcore_barrier()

    @pl.when(s < NS - 1)
    def _():
        pltpu.sync_copy(acc.at[pl.ds(s * RPT, RPT)],
                        out_hbm.at[c, pl.ds(s * RPT, RPT)])

    @pl.when(s == NS - 1)
    def _():
        pltpu.sync_copy(acc.at[pl.ds((NS - 1) * RPT, RPT_LAST)],
                        out_hbm.at[c, pl.ds((NS - 1) * RPT, RPT_LAST)])


BLK = 5000


def _combine_body(x_ref, w_ref, p_ref, o_ref):
    h = p_ref[0] + p_ref[1] + jnp.dot(x_ref[...], w_ref[...],
                                      preferred_element_type=jnp.float32)
    mu = jnp.mean(h, axis=-1, keepdims=True)
    var = jnp.mean((h - mu) ** 2, axis=-1, keepdims=True)
    o_ref[...] = (h - mu) * lax.rsqrt(var + LN_EPS)


def kernel(x, edge_index, loop_weight):
    src = edge_index[0]
    dst = edge_index[1]

    propagate = pl.kernel(
        _sc_propagate,
        out_type=jax.ShapeDtypeStruct((NC, N, D), jnp.float32),
        mesh=plsc.VectorSubcoreMesh(core_axis_name="c", subcore_axis_name="s"),
        scratch_types=[
            pltpu.VMEM_SHARED((N, D), jnp.float32),
            pltpu.VMEM((EPW,), jnp.int32),
            [pltpu.VMEM((16, K // 2), jnp.int32)] * NSLOT,
            [pltpu.VMEM((K, D), jnp.float32)] * NSLOT,
            [pltpu.SemaphoreType.DMA] * NSLOT,
            [pltpu.SemaphoreType.DMA] * NSLOT,
            [pltpu.SemaphoreType.DMA] * NSLOT,
        ],
    )
    partials = propagate(x, src, dst)

    out = pl.pallas_call(
        _combine_body,
        out_shape=jax.ShapeDtypeStruct((N, D), jnp.float32),
        grid=(N // BLK,),
        in_specs=[
            pl.BlockSpec((BLK, D), lambda i: (i, 0)),
            pl.BlockSpec((D, D), lambda i: (0, 0)),
            pl.BlockSpec((NC, BLK, D), lambda i: (0, i, 0)),
        ],
        out_specs=pl.BlockSpec((BLK, D), lambda i: (i, 0)),
    )(x, loop_weight, partials)
    return out

# --- scband reference (transcript-rebuilt; emitter-appended) ---
"""Pipeline reference for scband-rgcnlayer-12180527251901 (READ-ONLY COPY).

The authoritative reference and input builder live on the scoring server;
editing this copy changes nothing except your own understanding.
"""

import jax, jax.numpy as jnp
import numpy as np

N = 10000
E = 320000
D = 128
LN_EPS = 1e-5


def setup_inputs(seed: int = 0) -> dict:
    key = jax.random.key(seed)
    k1, k2, k3 = jax.random.split(key, 3)
    x = jax.random.normal(k1, (N, D), dtype=jnp.float32)
    edge_index = jax.random.randint(k2, (2, E), 0, N, dtype=jnp.int32)
    # xavier_uniform_ with gain=calculate_gain('relu')=sqrt(2)
    gain = np.sqrt(2.0)
    limit = gain * np.sqrt(6.0 / (D + D))
    loop_weight = jax.random.uniform(k3, (D, D), dtype=jnp.float32, minval=-limit, maxval=limit)
    return {"x": x, "edge_index": edge_index, "loop_weight": loop_weight}


def reference(x, edge_index, loop_weight):
    # self-loop message: x @ loop_weight (dropout=0.0 -> identity)
    loop_message = jnp.dot(x, loop_weight)
    # propagate: copy-from-source, sum-reduce onto destination nodes
    # (DGL fn.copy_u('h','m') + fn.sum('m','h') message passing)
    src = edge_index[0]
    dst = edge_index[1]
    msgs = jnp.take(x, src, axis=0)
    h = jax.ops.segment_sum(msgs, dst, num_segments=N)
    # bias=None, skip_connect disabled, prev_h empty branch
    h = h + loop_message
    # LayerNorm(out_feat, elementwise_affine=False)
    mu = jnp.mean(h, axis=-1, keepdims=True)
    var = jnp.var(h, axis=-1, keepdims=True)
    h = (h - mu) / jnp.sqrt(var + LN_EPS)
    # activation is None
    return h

if __name__ == "__main__":
    import jax
    _d = setup_inputs()
    print(jax.jit(kernel)(*tuple(_d.values())))

</pallas_src>

<mosaic_0001>
#map = affine_map<(d0, d1) -> (0, 0)>
#map1 = affine_map<(d0, d1) -> (0)>
#map2 = affine_map<(d0, d1) -> (0, 0, 0)>
module attributes {stable_mosaic.version = 14 : i64} {
  func.func @_sc_propagate(%arg0: i32, %arg1: i32, %arg2: memref<10000x128xf32, #tpu.memory_space<hbm>>, %arg3: memref<320000xi32, #tpu.memory_space<hbm>>, %arg4: memref<320000xi32, #tpu.memory_space<hbm>>, %arg5: memref<2x10000x128xf32, #tpu.memory_space<hbm>>, %arg6: memref<10000x128xf32, #tpu.memory_space<vmem_shared>>, %arg7: memref<10000xi32, #tpu.memory_space<vmem>>, %arg8: memref<16x40xi32, #tpu.memory_space<vmem>>, %arg9: memref<16x40xi32, #tpu.memory_space<vmem>>, %arg10: memref<16x40xi32, #tpu.memory_space<vmem>>, %arg11: memref<80x128xf32, #tpu.memory_space<vmem>>, %arg12: memref<80x128xf32, #tpu.memory_space<vmem>>, %arg13: memref<80x128xf32, #tpu.memory_space<vmem>>, %arg14: memref<!tpu.dma_semaphore, #tpu.memory_space<semaphore_mem>>, %arg15: memref<!tpu.dma_semaphore, #tpu.memory_space<semaphore_mem>>, %arg16: memref<!tpu.dma_semaphore, #tpu.memory_space<semaphore_mem>>, %arg17: memref<!tpu.dma_semaphore, #tpu.memory_space<semaphore_mem>>, %arg18: memref<!tpu.dma_semaphore, #tpu.memory_space<semaphore_mem>>, %arg19: memref<!tpu.dma_semaphore, #tpu.memory_space<semaphore_mem>>, %arg20: memref<!tpu.dma_semaphore, #tpu.memory_space<semaphore_mem>>, %arg21: memref<!tpu.dma_semaphore, #tpu.memory_space<semaphore_mem>>, %arg22: memref<!tpu.dma_semaphore, #tpu.memory_space<semaphore_mem>>) attributes {dimension_semantics = [#tpu.dimension_semantics<core_parallel>, #tpu.dimension_semantics<subcore_parallel>], iteration_bounds = array<i64: 2, 16>, scalar_prefetch = 0 : i64, scratch_operands = 17 : i64, tpu.core_type = #tpu.core_type<sc_vector_subcore>, window_params = [{transform_indices = #map}, {transform_indices = #map1}, {transform_indices = #map1}, {transform_indices = #map2}]} {
    %mul3A = arith.constant 2 : i32
    %mul3A_0 = arith.muli %arg1, %mul3A : i32
    %add3A = arith.addi %mul3A_0, %arg0 : i32
    %mul3A_1 = arith.constant 10000 : i32
    %mul3A_2 = arith.muli %add3A, %mul3A_1 : i32
    %multiple_of3A = tpu.assume_multiple %mul3A_2, 8 : i32
    %dma_start3A = tpu.memref_slice %arg3[%multiple_of3A] : memref<320000xi32, #tpu.memory_space<hbm>> -> memref<10000xi32, #tpu.memory_space<hbm>>
    %dma_start3A_3 = tpu.memref_slice %arg3[%multiple_of3A] : memref<320000xi32, #tpu.memory_space<hbm>> -> memref<10000xi32, #tpu.memory_space<hbm>>
    tpu.enqueue_dma source(%dma_start3A_3 : memref<10000xi32, #tpu.memory_space<hbm>>) target(%arg7 : memref<10000xi32, #tpu.memory_space<vmem>>) target_semaphore(%arg14 : memref<!tpu.dma_semaphore, #tpu.memory_space<semaphore_mem>>)
    %broadcast_in_dim3A = arith.constant 0.000000e+00 : f32
    %broadcast_in_dim3A_4 = vector.broadcast %broadcast_in_dim3A : f32 to vector<16xf32>
    %scan3A = arith.constant 0 : i32
    %scan3A_5 = arith.constant 0 : i32
    %scan3A_6 = arith.constant 80 : i32
    %scan3A_7 = arith.addi %scan3A_5, %scan3A_6 : i32
    %scan3A_8 = arith.constant 1 : i32
    scf.for %scan3A_186 = %scan3A_5 to %scan3A_7 step %scan3A_8  : i32 {
      %swap3A = arith.index_cast %scan3A_186 : i32 to index
      %swap3A_187 = arith.constant 0 : index
      %swap3A_188 = tpu.vector_load %arg11[%swap3A, %swap3A_187] {strides = array<i32>} : memref<80x128xf32, #tpu.memory_space<vmem>>, vector<1x16xf32>,
      %swap3A_189 = vector.shape_cast %swap3A_188 : vector<1x16xf32> to vector<16xf32>
      %swap3A_190 = vector.shape_cast %broadcast_in_dim3A_4 : vector<16xf32> to vector<1x16xf32>
      tpu.vector_store %arg11[%swap3A, %swap3A_187], %swap3A_190 {strides = array<i32>} : memref<80x128xf32, #tpu.memory_space<vmem>>, vector<1x16xf32>,
      %swap3A_191 = arith.index_cast %scan3A_186 : i32 to index
      %swap3A_192 = arith.constant 16 : index
      %swap3A_193 = tpu.vector_load %arg11[%swap3A_191, %swap3A_192] {strides = array<i32>} : memref<80x128xf32, #tpu.memory_space<vmem>>, vector<1x16xf32>,
      %swap3A_194 = vector.shape_cast %swap3A_193 : vector<1x16xf32> to vector<16xf32>
      %swap3A_195 = vector.shape_cast %broadcast_in_dim3A_4 : vector<16xf32> to vector<1x16xf32>
      tpu.vector_store %arg11[%swap3A_191, %swap3A_192], %swap3A_195 {strides = array<i32>} : memref<80x128xf32, #tpu.memory_space<vmem>>, vector<1x16xf32>,
      %swap3A_196 = arith.index_cast %scan3A_186 : i32 to index
      %swap3A_197 = arith.constant 32 : index
      %swap3A_198 = tpu.vector_load %arg11[%swap3A_196, %swap3A_197] {strides = array<i32>} : memref<80x128xf32, #tpu.memory_space<vmem>>, vector<1x16xf32>,
      %swap3A_199 = vector.shape_cast %swap3A_198 : vector<1x16xf32> to vector<16xf32>
      %swap3A_200 = vector.shape_cast %broadcast_in_dim3A_4 : vector<16xf32> to vector<1x16xf32>
      tpu.vector_store %arg11[%swap3A_196, %swap3A_197], %swap3A_200 {strides = array<i32>} : memref<80x128xf32, #tpu.memory_space<vmem>>, vector<1x16xf32>,
      %swap3A_201 = arith.index_cast %scan3A_186 : i32 to index
      %swap3A_202 = arith.constant 48 : index
      %swap3A_203 = tpu.vector_load %arg11[%swap3A_201, %swap3A_202] {strides = array<i32>} : memref<80x128xf32, #tpu.memory_space<vmem>>, vector<1x16xf32>,
      %swap3A_204 = vector.shape_cast %swap3A_203 : vector<1x16xf32> to vector<16xf32>
      %swap3A_205 = vector.shape_cast %broadcast_in_dim3A_4 : vector<16xf32> to vector<1x16xf32>
      tpu.vector_store %arg11[%swap3A_201, %swap3A_202], %swap3A_205 {strides = array<i32>} : memref<80x128xf32, #tpu.memory_space<vmem>>, vector<1x16xf32>,
      %swap3A_206 = arith.index_cast %scan3A_186 : i32 to index
      %swap3A_207 = arith.constant 64 : index
      %swap3A_208 = tpu.vector_load %arg11[%swap3A_206, %swap3A_207] {strides = array<i32>} : memref<80x128xf32, #tpu.memory_space<vmem>>, vector<1x16xf32>,
      %swap3A_209 = vector.shape_cast %swap3A_208 : vector<1x16xf32> to vector<16xf32>
      %swap3A_210 = vector.shape_cast %broadcast_in_dim3A_4 : vector<16xf32> to vector<1x16xf32>
      tpu.vector_store %arg11[%swap3A_206, %swap3A_207], %swap3A_210 {strides = array<i32>} : memref<80x128xf32, #tpu.memory_space<vmem>>, vector<1x16xf32>,
      %swap3A_211 = arith.index_cast %scan3A_186 : i32 to index
      %swap3A_212 = arith.constant 80 : index
      %swap3A_213 = tpu.vector_load %arg11[%swap3A_211, %swap3A_212] {strides = array<i32>} : memref<80x128xf32, #tpu.memory_space<vmem>>, vector<1x16xf32>,
      %swap3A_214 = vector.shape_cast %swap3A_213 : vector<1x16xf32> to vector<16xf32>
      %swap3A_215 = vector.shape_cast %broadcast_in_dim3A_4 : vector<16xf32> to vector<1x16xf32>
      tpu.vector_store %arg11[%swap3A_211, %swap3A_212], %swap3A_215 {strides = array<i32>} : memref<80x128xf32, #tpu.memory_space<vmem>>, vector<1x16xf32>,
      %swap3A_216 = arith.index_cast %scan3A_186 : i32 to index
      %swap3A_217 = arith.constant 96 : index
      %swap3A_218 = tpu.vector_load %arg11[%swap3A_216, %swap3A_217] {strides = array<i32>} : memref<80x128xf32, #tpu.memory_space<vmem>>, vector<1x16xf32>,
      %swap3A_219 = vector.shape_cast %swap3A_218 : vector<1x16xf32> to vector<16xf32>
      %swap3A_220 = vector.shape_cast %broadcast_in_dim3A_4 : vector<16xf32> to vector<1x16xf32>
      tpu.vector_store %arg11[%swap3A_216, %swap3A_217], %swap3A_220 {strides = array<i32>} : memref<80x128xf32, #tpu.memory_space<vmem>>, vector<1x16xf32>,
      %swap3A_221 = arith.index_cast %scan3A_186 : i32 to index
      %swap3A_222 = arith.constant 112 : index
      %swap3A_223 = tpu.vector_load %arg11[%swap3A_221, %swap3A_222] {strides = array<i32>} : memref<80x128xf32, #tpu.memory_space<vmem>>, vector<1x16xf32>,
      %swap3A_224 = vector.shape_cast %swap3A_223 : vector<1x16xf32> to vector<16xf32>
      %swap3A_225 = vector.shape_cast %broadcast_in_dim3A_4 : vector<16xf32> to vector<1x16xf32>
      tpu.vector_store %arg11[%swap3A_221, %swap3A_222], %swap3A_225 {strides = array<i32>} : memref<80x128xf32, #tpu.memory_space<vmem>>, vector<1x16xf32>,
    }
    %scan3A_9 = arith.constant 80 : i32
    %lt3A = arith.constant 15 : i32
    %lt3A_10 = arith.cmpi slt, %arg1, %lt3A : i32
    %jit3A = arith.constant 8 : i32
    %jit3A_11 = arith.constant 5 : i32
    %select_n3A = arith.select %lt3A_10, %jit3A, %jit3A_11 : i32
    %while3A = arith.constant 0 : i32
    %while3A_12 = arith.constant 0 : i32
    %while3A_13 = arith.subi %select_n3A, %while3A_12 : i32
    %while3A_14 = arith.addi %while3A_12, %while3A_13 : i32
    %while3A_15 = arith.constant 1 : i32
    %while3A_16 = arith.divsi %while3A_13, %while3A_15 : i32
    %while3A_17 = arith.muli %while3A_16, %while3A_15 : i32
    %while3A_18 = arith.addi %while3A_12, %while3A_17 : i32
    %while3A_19 = arith.constant 1 : i32
    scf.for %while3A_186 = %while3A_12 to %while3A_18 step %while3A_19  : i32 {
      %mul3A_187 = arith.constant 640 : i32
      %mul3A_188 = arith.muli %arg1, %mul3A_187 : i32
      %mul3A_189 = arith.constant 80 : i32
      %mul3A_190 = arith.muli %while3A_186, %mul3A_189 : i32
      %add3A_191 = arith.addi %mul3A_188, %mul3A_190 : i32
      "tpu.region"() ({
        %run_scoped3A = tpu.sem_alloc : memref<!tpu.dma_semaphore, #tpu.memory_space<semaphore_mem>>
        %dma_start3A_192 = arith.constant 0 : i32
        %dma_start3A_193 = arith.constant 0 : i32
        %dma_start3A_194 = tpu.memref_slice %arg11[%dma_start3A_192, %dma_start3A_193] : memref<80x128xf32, #tpu.memory_space<vmem>> -> memref<80x128xf32, #tpu.memory_space<vmem>>
        %dma_start3A_195 = arith.constant 0 : i32
        %dma_start3A_196 = tpu.memref_slice %arg6[%add3A_191, %dma_start3A_195] : memref<10000x128xf32, #tpu.memory_space<vmem_shared>> -> memref<80x128xf32, #tpu.memory_space<vmem_shared>>
        %dma_start3A_197 = arith.constant 0 : i32
        %dma_start3A_198 = tpu.memref_slice %arg6[%add3A_191, %dma_start3A_197] : memref<10000x128xf32, #tpu.memory_space<vmem_shared>> -> memref<80x128xf32, #tpu.memory_space<vmem_shared>>
        %dma_start3A_199 = arith.constant 0 : i32
        %dma_start3A_200 = arith.constant 0 : i32
        %dma_start3A_201 = tpu.memref_slice %arg11[%dma_start3A_199, %dma_start3A_200] : memref<80x128xf32, #tpu.memory_space<vmem>> -> memref<80x128xf32, #tpu.memory_space<vmem>>
        tpu.enqueue_dma source(%dma_start3A_201 : memref<80x128xf32, #tpu.memory_space<vmem>>) target(%dma_start3A_198 : memref<80x128xf32, #tpu.memory_space<vmem_shared>>) target_semaphore(%run_scoped3A : memref<!tpu.dma_semaphore, #tpu.memory_space<semaphore_mem>>)
        %dma_wait3A_202 = arith.constant 0 : i32
        %dma_wait3A_203 = arith.constant 0 : i32
        %dma_wait3A_204 = tpu.memref_slice %arg11[%dma_wait3A_202, %dma_wait3A_203] : memref<80x128xf32, #tpu.memory_space<vmem>> -> memref<80x128xf32, #tpu.memory_space<vmem>>
        %dma_wait3A_205 = arith.constant 0 : i32
        %dma_wait3A_206 = tpu.memref_slice %arg6[%add3A_191, %dma_wait3A_205] : memref<10000x128xf32, #tpu.memory_space<vmem_shared>> -> memref<80x128xf32, #tpu.memory_space<vmem_shared>>
        %dma_wait3A_207 = arith.constant 0 : i32
        %dma_wait3A_208 = tpu.memref_slice %arg6[%add3A_191, %dma_wait3A_207] : memref<10000x128xf32, #tpu.memory_space<vmem_shared>> -> memref<80x128xf32, #tpu.memory_space<vmem_shared>>
        %dma_wait3A_209 = arith.constant 0 : i32
        %dma_wait3A_210 = arith.constant 0 : i32
        %dma_wait3A_211 = tpu.memref_slice %arg11[%dma_wait3A_209, %dma_wait3A_210] : memref<80x128xf32, #tpu.memory_space<vmem>> -> memref<80x128xf32, #tpu.memory_space<vmem>>
        tpu.wait_dma2 semaphore(%run_scoped3A : memref<!tpu.dma_semaphore, #tpu.memory_space<semaphore_mem>>) src(%dma_wait3A_211 : memref<80x128xf32, #tpu.memory_space<vmem>>) dst(%dma_wait3A_208 : memref<80x128xf32, #tpu.memory_space<vmem_shared>>)
        tpu.yield
      }) : () -> ()
    }
    %while3A_20 = arith.constant 1 : i32
    scf.for %while3A_186 = %while3A_18 to %while3A_14 step %while3A_20  : i32 {
      %mul3A_187 = arith.constant 640 : i32
      %mul3A_188 = arith.muli %arg1, %mul3A_187 : i32
      %mul3A_189 = arith.constant 80 : i32
      %mul3A_190 = arith.muli %while3A_186, %mul3A_189 : i32
      %add3A_191 = arith.addi %mul3A_188, %mul3A_190 : i32
      "tpu.region"() ({
        %run_scoped3A = tpu.sem_alloc : memref<!tpu.dma_semaphore, #tpu.memory_space<semaphore_mem>>
        %dma_start3A_192 = arith.constant 0 : i32
        %dma_start3A_193 = arith.constant 0 : i32
        %dma_start3A_194 = tpu.memref_slice %arg11[%dma_start3A_192, %dma_start3A_193] : memref<80x128xf32, #tpu.memory_space<vmem>> -> memref<80x128xf32, #tpu.memory_space<vmem>>
        %dma_start3A_195 = arith.constant 0 : i32
        %dma_start3A_196 = tpu.memref_slice %arg6[%add3A_191, %dma_start3A_195] : memref<10000x128xf32, #tpu.memory_space<vmem_shared>> -> memref<80x128xf32, #tpu.memory_space<vmem_shared>>
        %dma_start3A_197 = arith.constant 0 : i32
        %dma_start3A_198 = tpu.memref_slice %arg6[%add3A_191, %dma_start3A_197] : memref<10000x128xf32, #tpu.memory_space<vmem_shared>> -> memref<80x128xf32, #tpu.memory_space<vmem_shared>>
        %dma_start3A_199 = arith.constant 0 : i32
        %dma_start3A_200 = arith.constant 0 : i32
        %dma_start3A_201 = tpu.memref_slice %arg11[%dma_start3A_199, %dma_start3A_200] : memref<80x128xf32, #tpu.memory_space<vmem>> -> memref<80x128xf32, #tpu.memory_space<vmem>>
        tpu.enqueue_dma source(%dma_start3A_201 : memref<80x128xf32, #tpu.memory_space<vmem>>) target(%dma_start3A_198 : memref<80x128xf32, #tpu.memory_space<vmem_shared>>) target_semaphore(%run_scoped3A : memref<!tpu.dma_semaphore, #tpu.memory_space<semaphore_mem>>)
        %dma_wait3A_202 = arith.constant 0 : i32
        %dma_wait3A_203 = arith.constant 0 : i32
        %dma_wait3A_204 = tpu.memref_slice %arg11[%dma_wait3A_202, %dma_wait3A_203] : memref<80x128xf32, #tpu.memory_space<vmem>> -> memref<80x128xf32, #tpu.memory_space<vmem>>
        %dma_wait3A_205 = arith.constant 0 : i32
        %dma_wait3A_206 = tpu.memref_slice %arg6[%add3A_191, %dma_wait3A_205] : memref<10000x128xf32, #tpu.memory_space<vmem_shared>> -> memref<80x128xf32, #tpu.memory_space<vmem_shared>>
        %dma_wait3A_207 = arith.constant 0 : i32
        %dma_wait3A_208 = tpu.memref_slice %arg6[%add3A_191, %dma_wait3A_207] : memref<10000x128xf32, #tpu.memory_space<vmem_shared>> -> memref<80x128xf32, #tpu.memory_space<vmem_shared>>
        %dma_wait3A_209 = arith.constant 0 : i32
        %dma_wait3A_210 = arith.constant 0 : i32
        %dma_wait3A_211 = tpu.memref_slice %arg11[%dma_wait3A_209, %dma_wait3A_210] : memref<80x128xf32, #tpu.memory_space<vmem>> -> memref<80x128xf32, #tpu.memory_space<vmem>>
        tpu.wait_dma2 semaphore(%run_scoped3A : memref<!tpu.dma_semaphore, #tpu.memory_space<semaphore_mem>>) src(%dma_wait3A_211 : memref<80x128xf32, #tpu.memory_space<vmem>>) dst(%dma_wait3A_208 : memref<80x128xf32, #tpu.memory_space<vmem_shared>>)
        tpu.yield
      }) : () -> ()
    }
    %dma_wait3A = tpu.memref_slice %arg3[%multiple_of3A] : memref<320000xi32, #tpu.memory_space<hbm>> -> memref<10000xi32, #tpu.memory_space<hbm>>
    %dma_wait3A_21 = tpu.memref_slice %arg3[%multiple_of3A] : memref<320000xi32, #tpu.memory_space<hbm>> -> memref<10000xi32, #tpu.memory_space<hbm>>
    tpu.wait_dma2 semaphore(%arg14 : memref<!tpu.dma_semaphore, #tpu.memory_space<semaphore_mem>>) src(%dma_wait3A_21 : memref<10000xi32, #tpu.memory_space<hbm>>) dst(%arg7 : memref<10000xi32, #tpu.memory_space<vmem>>)
    %mul3A_22 = arith.constant 10000 : i32
    %mul3A_23 = arith.muli %add3A, %mul3A_22 : i32
    %add3A_24 = arith.constant 0 : i32
    %add3A_25 = arith.addi %mul3A_23, %add3A_24 : i32
    %add3A_26 = arith.constant 0 : i32
    %add3A_27 = arith.addi %add3A_25, %add3A_26 : i32
    %multiple_of3A_28 = tpu.assume_multiple %add3A_27, 8 : i32
    %dma_start3A_29 = arith.constant 0 : i32
    %dma_start3A_30 = arith.constant 0 : i32
    %dma_start3A_31 = tpu.memref_slice %arg8[%dma_start3A_29, %dma_start3A_30] : memref<16x40xi32, #tpu.memory_space<vmem>> -> memref<1x40xi32, #tpu.memory_space<vmem>>
    %dma_start3A_32 = tpu.memref_squeeze %dma_start3A_31 : memref<1x40xi32, #tpu.memory_space<vmem>> -> memref<40xi32, #tpu.memory_space<vmem>>
    %dma_start3A_33 = tpu.memref_slice %arg4[%multiple_of3A_28] : memref<320000xi32, #tpu.memory_space<hbm>> -> memref<40xi32, #tpu.memory_space<hbm>>
    %dma_start3A_34 = arith.constant 0 : i32
    %dma_start3A_35 = tpu.memref_slice %arg8[%dma_start3A_29, %dma_start3A_34] : memref<16x40xi32, #tpu.memory_space<vmem>> -> memref<1x40xi32, #tpu.memory_space<vmem>>
    %dma_start3A_36 = tpu.memref_squeeze %dma_start3A_35 : memref<1x40xi32, #tpu.memory_space<vmem>> -> memref<40xi32, #tpu.memory_space<vmem>>
    %dma_start3A_37 = tpu.memref_slice %arg4[%multiple_of3A_28] : memref<320000xi32, #tpu.memory_space<hbm>> -> memref<40xi32, #tpu.memory_space<hbm>>
    tpu.enqueue_dma source(%dma_start3A_37 : memref<40xi32, #tpu.memory_space<hbm>>) target(%dma_start3A_36 : memref<40xi32, #tpu.memory_space<vmem>>) target_semaphore(%arg17 : memref<!tpu.dma_semaphore, #tpu.memory_space<semaphore_mem>>)
    %mul3A_38 = arith.constant 10000 : i32
    %mul3A_39 = arith.muli %add3A, %mul3A_38 : i32
    %add3A_40 = arith.constant 0 : i32
    %add3A_41 = arith.addi %mul3A_39, %add3A_40 : i32
    %add3A_42 = arith.constant 40 : i32
    %add3A_43 = arith.addi %add3A_41, %add3A_42 : i32
    %multiple_of3A_44 = tpu.assume_multiple %add3A_43, 8 : i32
    %dma_start3A_45 = arith.constant 8 : i32
    %dma_start3A_46 = arith.constant 0 : i32
    %dma_start3A_47 = tpu.memref_slice %arg8[%dma_start3A_45, %dma_start3A_46] : memref<16x40xi32, #tpu.memory_space<vmem>> -> memref<1x40xi32, #tpu.memory_space<vmem>>
    %dma_start3A_48 = tpu.memref_squeeze %dma_start3A_47 : memref<1x40xi32, #tpu.memory_space<vmem>> -> memref<40xi32, #tpu.memory_space<vmem>>
    %dma_start3A_49 = tpu.memref_slice %arg4[%multiple_of3A_44] : memref<320000xi32, #tpu.memory_space<hbm>> -> memref<40xi32, #tpu.memory_space<hbm>>
    %dma_start3A_50 = arith.constant 0 : i32
    %dma_start3A_51 = tpu.memref_slice %arg8[%dma_start3A_45, %dma_start3A_50] : memref<16x40xi32, #tpu.memory_space<vmem>> -> memref<1x40xi32, #tpu.memory_space<vmem>>
    %dma_start3A_52 = tpu.memref_squeeze %dma_start3A_51 : memref<1x40xi32, #tpu.memory_space<vmem>> -> memref<40xi32, #tpu.memory_space<vmem>>
    %dma_start3A_53 = tpu.memref_slice %arg4[%multiple_of3A_44] : memref<320000xi32, #tpu.memory_space<hbm>> -> memref<40xi32, #tpu.memory_space<hbm>>
    tpu.enqueue_dma source(%dma_start3A_53 : memref<40xi32, #tpu.memory_space<hbm>>) target(%dma_start3A_52 : memref<40xi32, #tpu.memory_space<vmem>>) target_semaphore(%arg17 : memref<!tpu.dma_semaphore, #tpu.memory_space<semaphore_mem>>)
    %multiple_of3A_54 = arith.constant 0 : i32
    %multiple_of3A_55 = tpu.assume_multiple %multiple_of3A_54, 8 : i32
    %dma_start3A_56 = arith.constant 0 : i32
    %dma_start3A_57 = arith.constant 0 : i32
    %dma_start3A_58 = tpu.memref_slice %arg11[%dma_start3A_56, %dma_start3A_57] : memref<80x128xf32, #tpu.memory_space<vmem>> -> memref<40x128xf32, #tpu.memory_space<vmem>>
    %dma_start3A_59 = tpu.memref_slice %arg7[%multiple_of3A_55] : memref<10000xi32, #tpu.memory_space<vmem>> -> memref<40xi32, #tpu.memory_space<vmem>>
    %dma_start3A_60 = arith.constant 0 : i32
    %dma_start3A_61 = arith.constant 0 : i32
    %dma_start3A_62 = tpu.memref_slice %arg2[%dma_start3A_60, %dma_start3A_61] : memref<10000x128xf32, #tpu.memory_space<hbm>> -> memref<10000x128xf32, #tpu.memory_space<hbm>>
    tpu.enqueue_indirect_dma source(%dma_start3A_62 : memref<10000x128xf32, #tpu.memory_space<hbm>>) target(%dma_start3A_58 : memref<40x128xf32, #tpu.memory_space<vmem>>) offsets(%dma_start3A_59 : memref<40xi32, #tpu.memory_space<vmem>>) semaphore(%arg14 : memref<!tpu.dma_semaphore, #tpu.memory_space<semaphore_mem>>)
    %multiple_of3A_63 = arith.constant 40 : i32
    %multiple_of3A_64 = tpu.assume_multiple %multiple_of3A_63, 8 : i32
    %dma_start3A_65 = arith.constant 40 : i32
    %dma_start3A_66 = arith.constant 0 : i32
    %dma_start3A_67 = tpu.memref_slice %arg11[%dma_start3A_65, %dma_start3A_66] : memref<80x128xf32, #tpu.memory_space<vmem>> -> memref<40x128xf32, #tpu.memory_space<vmem>>
    %dma_start3A_68 = tpu.memref_slice %arg7[%multiple_of3A_64] : memref<10000xi32, #tpu.memory_space<vmem>> -> memref<40xi32, #tpu.memory_space<vmem>>
    %dma_start3A_69 = arith.constant 0 : i32
    %dma_start3A_70 = arith.constant 0 : i32
    %dma_start3A_71 = tpu.memref_slice %arg2[%dma_start3A_69, %dma_start3A_70] : memref<10000x128xf32, #tpu.memory_space<hbm>> -> memref<10000x128xf32, #tpu.memory_space<hbm>>
    tpu.enqueue_indirect_dma source(%dma_start3A_71 : memref<10000x128xf32, #tpu.memory_space<hbm>>) target(%dma_start3A_67 : memref<40x128xf32, #tpu.memory_space<vmem>>) offsets(%dma_start3A_68 : memref<40xi32, #tpu.memory_space<vmem>>) semaphore(%arg14 : memref<!tpu.dma_semaphore, #tpu.memory_space<semaphore_mem>>)
    %mul3A_72 = arith.constant 10000 : i32
    %mul3A_73 = arith.muli %add3A, %mul3A_72 : i32
    %add3A_74 = arith.constant 80 : i32
    %add3A_75 = arith.addi %mul3A_73, %add3A_74 : i32
    %add3A_76 = arith.constant 0 : i32
    %add3A_77 = arith.addi %add3A_75, %add3A_76 : i32
    %multiple_of3A_78 = tpu.assume_multiple %add3A_77, 8 : i32
    %dma_start3A_79 = arith.constant 0 : i32
    %dma_start3A_80 = arith.constant 0 : i32
    %dma_start3A_81 = tpu.memref_slice %arg9[%dma_start3A_79, %dma_start3A_80] : memref<16x40xi32, #tpu.memory_space<vmem>> -> memref<1x40xi32, #tpu.memory_space<vmem>>
    %dma_start3A_82 = tpu.memref_squeeze %dma_start3A_81 : memref<1x40xi32, #tpu.memory_space<vmem>> -> memref<40xi32, #tpu.memory_space<vmem>>
    %dma_start3A_83 = tpu.memref_slice %arg4[%multiple_of3A_78] : memref<320000xi32, #tpu.memory_space<hbm>> -> memref<40xi32, #tpu.memory_space<hbm>>
    %dma_start3A_84 = arith.constant 0 : i32
    %dma_start3A_85 = tpu.memref_slice %arg9[%dma_start3A_79, %dma_start3A_84] : memref<16x40xi32, #tpu.memory_space<vmem>> -> memref<1x40xi32, #tpu.memory_space<vmem>>
    %dma_start3A_86 = tpu.memref_squeeze %dma_start3A_85 : memref<1x40xi32, #tpu.memory_space<vmem>> -> memref<40xi32, #tpu.memory_space<vmem>>
    %dma_start3A_87 = tpu.memref_slice %arg4[%multiple_of3A_78] : memref<320000xi32, #tpu.memory_space<hbm>> -> memref<40xi32, #tpu.memory_space<hbm>>
    tpu.enqueue_dma source(%dma_start3A_87 : memref<40xi32, #tpu.memory_space<hbm>>) target(%dma_start3A_86 : memref<40xi32, #tpu.memory_space<vmem>>) target_semaphore(%arg18 : memref<!tpu.dma_semaphore, #tpu.memory_space<semaphore_mem>>)
    %mul3A_88 = arith.constant 10000 : i32
    %mul3A_89 = arith.muli %add3A, %mul3A_88 : i32
    %add3A_90 = arith.constant 80 : i32
    %add3A_91 = arith.addi %mul3A_89, %add3A_90 : i32
    %add3A_92 = arith.constant 40 : i32
    %add3A_93 = arith.addi %add3A_91, %add3A_92 : i32
    %multiple_of3A_94 = tpu.assume_multiple %add3A_93, 8 : i32
    %dma_start3A_95 = arith.constant 8 : i32
    %dma_start3A_96 = arith.constant 0 : i32
    %dma_start3A_97 = tpu.memref_slice %arg9[%dma_start3A_95, %dma_start3A_96] : memref<16x40xi32, #tpu.memory_space<vmem>> -> memref<1x40xi32, #tpu.memory_space<vmem>>
    %dma_start3A_98 = tpu.memref_squeeze %dma_start3A_97 : memref<1x40xi32, #tpu.memory_space<vmem>> -> memref<40xi32, #tpu.memory_space<vmem>>
    %dma_start3A_99 = tpu.memref_slice %arg4[%multiple_of3A_94] : memref<320000xi32, #tpu.memory_space<hbm>> -> memref<40xi32, #tpu.memory_space<hbm>>
    %dma_start3A_100 = arith.constant 0 : i32
    %dma_start3A_101 = tpu.memref_slice %arg9[%dma_start3A_95, %dma_start3A_100] : memref<16x40xi32, #tpu.memory_space<vmem>> -> memref<1x40xi32, #tpu.memory_space<vmem>>
    %dma_start3A_102 = tpu.memref_squeeze %dma_start3A_101 : memref<1x40xi32, #tpu.memory_space<vmem>> -> memref<40xi32, #tpu.memory_space<vmem>>
    %dma_start3A_103 = tpu.memref_slice %arg4[%multiple_of3A_94] : memref<320000xi32, #tpu.memory_space<hbm>> -> memref<40xi32, #tpu.memory_space<hbm>>
    tpu.enqueue_dma source(%dma_start3A_103 : memref<40xi32, #tpu.memory_space<hbm>>) target(%dma_start3A_102 : memref<40xi32, #tpu.memory_space<vmem>>) target_semaphore(%arg18 : memref<!tpu.dma_semaphore, #tpu.memory_space<semaphore_mem>>)
    %multiple_of3A_104 = arith.constant 80 : i32
    %multiple_of3A_105 = tpu.assume_multiple %multiple_of3A_104, 8 : i32
    %dma_start3A_106 = arith.constant 0 : i32
    %dma_start3A_107 = arith.constant 0 : i32
    %dma_start3A_108 = tpu.memref_slice %arg12[%dma_start3A_106, %dma_start3A_107] : memref<80x128xf32, #tpu.memory_space<vmem>> -> memref<40x128xf32, #tpu.memory_space<vmem>>
    %dma_start3A_109 = tpu.memref_slice %arg7[%multiple_of3A_105] : memref<10000xi32, #tpu.memory_space<vmem>> -> memref<40xi32, #tpu.memory_space<vmem>>
    %dma_start3A_110 = arith.constant 0 : i32
    %dma_start3A_111 = arith.constant 0 : i32
    %dma_start3A_112 = tpu.memref_slice %arg2[%dma_start3A_110, %dma_start3A_111] : memref<10000x128xf32, #tpu.memory_space<hbm>> -> memref<10000x128xf32, #tpu.memory_space<hbm>>
    tpu.enqueue_indirect_dma source(%dma_start3A_112 : memref<10000x128xf32, #tpu.memory_space<hbm>>) target(%dma_start3A_108 : memref<40x128xf32, #tpu.memory_space<vmem>>) offsets(%dma_start3A_109 : memref<40xi32, #tpu.memory_space<vmem>>) semaphore(%arg15 : memref<!tpu.dma_semaphore, #tpu.memory_space<semaphore_mem>>)
    %multiple_of3A_113 = arith.constant 120 : i32
    %multiple_of3A_114 = tpu.assume_multiple %multiple_of3A_113, 8 : i32
    %dma_start3A_115 = arith.constant 40 : i32
    %dma_start3A_116 = arith.constant 0 : i32
    %dma_start3A_117 = tpu.memref_slice %arg12[%dma_start3A_115, %dma_start3A_116] : memref<80x128xf32, #tpu.memory_space<vmem>> -> memref<40x128xf32, #tpu.memory_space<vmem>>
    %dma_start3A_118 = tpu.memref_slice %arg7[%multiple_of3A_114] : memref<10000xi32, #tpu.memory_space<vmem>> -> memref<40xi32, #tpu.memory_space<vmem>>
    %dma_start3A_119 = arith.constant 0 : i32
    %dma_start3A_120 = arith.constant 0 : i32
    %dma_start3A_121 = tpu.memref_slice %arg2[%dma_start3A_119, %dma_start3A_120] : memref<10000x128xf32, #tpu.memory_space<hbm>> -> memref<10000x128xf32, #tpu.memory_space<hbm>>
    tpu.enqueue_indirect_dma source(%dma_start3A_121 : memref<10000x128xf32, #tpu.memory_space<hbm>>) target(%dma_start3A_117 : memref<40x128xf32, #tpu.memory_space<vmem>>) offsets(%dma_start3A_118 : memref<40xi32, #tpu.memory_space<vmem>>) semaphore(%arg15 : memref<!tpu.dma_semaphore, #tpu.memory_space<semaphore_mem>>)
    %mul3A_122 = arith.constant 10000 : i32
    %mul3A_123 = arith.muli %add3A, %mul3A_122 : i32
    %add3A_124 = arith.constant 160 : i32
    %add3A_125 = arith.addi %mul3A_123, %add3A_124 : i32
    %add3A_126 = arith.constant 0 : i32
    %add3A_127 = arith.addi %add3A_125, %add3A_126 : i32
    %multiple_of3A_128 = tpu.assume_multiple %add3A_127, 8 : i32
    %dma_start3A_129 = arith.constant 0 : i32
    %dma_start3A_130 = arith.constant 0 : i32
    %dma_start3A_131 = tpu.memref_slice %arg10[%dma_start3A_129, %dma_start3A_130] : memref<16x40xi32, #tpu.memory_space<vmem>> -> memref<1x40xi32, #tpu.memory_space<vmem>>
    %dma_start3A_132 = tpu.memref_squeeze %dma_start3A_131 : memref<1x40xi32, #tpu.memory_space<vmem>> -> memref<40xi32, #tpu.memory_space<vmem>>
    %dma_start3A_133 = tpu.memref_slice %arg4[%multiple_of3A_128] : memref<320000xi32, #tpu.memory_space<hbm>> -> memref<40xi32, #tpu.memory_space<hbm>>
    %dma_start3A_134 = arith.constant 0 : i32
    %dma_start3A_135 = tpu.memref_slice %arg10[%dma_start3A_129, %dma_start3A_134] : memref<16x40xi32, #tpu.memory_space<vmem>> -> memref<1x40xi32, #tpu.memory_space<vmem>>
    %dma_start3A_136 = tpu.memref_squeeze %dma_start3A_135 : memref<1x40xi32, #tpu.memory_space<vmem>> -> memref<40xi32, #tpu.memory_space<vmem>>
    %dma_start3A_137 = tpu.memref_slice %arg4[%multiple_of3A_128] : memref<320000xi32, #tpu.memory_space<hbm>> -> memref<40xi32, #tpu.memory_space<hbm>>
    tpu.enqueue_dma source(%dma_start3A_137 : memref<40xi32, #tpu.memory_space<hbm>>) target(%dma_start3A_136 : memref<40xi32, #tpu.memory_space<vmem>>) target_semaphore(%arg19 : memref<!tpu.dma_semaphore, #tpu.memory_space<semaphore_mem>>)
    %mul3A_138 = arith.constant 10000 : i32
    %mul3A_139 = arith.muli %add3A, %mul3A_138 : i32
    %add3A_140 = arith.constant 160 : i32
    %add3A_141 = arith.addi %mul3A_139, %add3A_140 : i32
    %add3A_142 = arith.constant 40 : i32
    %add3A_143 = arith.addi %add3A_141, %add3A_142 : i32
    %multiple_of3A_144 = tpu.assume_multiple %add3A_143, 8 : i32
    %dma_start3A_145 = arith.constant 8 : i32
    %dma_start3A_146 = arith.constant 0 : i32
    %dma_start3A_147 = tpu.memref_slice %arg10[%dma_start3A_145, %dma_start3A_146] : memref<16x40xi32, #tpu.memory_space<vmem>> -> memref<1x40xi32, #tpu.memory_space<vmem>>
    %dma_start3A_148 = tpu.memref_squeeze %dma_start3A_147 : memref<1x40xi32, #tpu.memory_space<vmem>> -> memref<40xi32, #tpu.memory_space<vmem>>
    %dma_start3A_149 = tpu.memref_slice %arg4[%multiple_of3A_144] : memref<320000xi32, #tpu.memory_space<hbm>> -> memref<40xi32, #tpu.memory_space<hbm>>
    %dma_start3A_150 = arith.constant 0 : i32
    %dma_start3A_151 = tpu.memref_slice %arg10[%dma_start3A_145, %dma_start3A_150] : memref<16x40xi32, #tpu.memory_space<vmem>> -> memref<1x40xi32, #tpu.memory_space<vmem>>
    %dma_start3A_152 = tpu.memref_squeeze %dma_start3A_151 : memref<1x40xi32, #tpu.memory_space<vmem>> -> memref<40xi32, #tpu.memory_space<vmem>>
    %dma_start3A_153 = tpu.memref_slice %arg4[%multiple_of3A_144] : memref<320000xi32, #tpu.memory_space<hbm>> -> memref<40xi32, #tpu.memory_space<hbm>>
    tpu.enqueue_dma source(%dma_start3A_153 : memref<40xi32, #tpu.memory_space<hbm>>) target(%dma_start3A_152 : memref<40xi32, #tpu.memory_space<vmem>>) target_semaphore(%arg19 : memref<!tpu.dma_semaphore, #tpu.memory_space<semaphore_mem>>)
    %multiple_of3A_154 = arith.constant 160 : i32
    %multiple_of3A_155 = tpu.assume_multiple %multiple_of3A_154, 8 : i32
    %dma_start3A_156 = arith.constant 0 : i32
    %dma_start3A_157 = arith.constant 0 : i32
    %dma_start3A_158 = tpu.memref_slice %arg13[%dma_start3A_156, %dma_start3A_157] : memref<80x128xf32, #tpu.memory_space<vmem>> -> memref<40x128xf32, #tpu.memory_space<vmem>>
    %dma_start3A_159 = tpu.memref_slice %arg7[%multiple_of3A_155] : memref<10000xi32, #tpu.memory_space<vmem>> -> memref<40xi32, #tpu.memory_space<vmem>>
    %dma_start3A_160 = arith.constant 0 : i32
    %dma_start3A_161 = arith.constant 0 : i32
    %dma_start3A_162 = tpu.memref_slice %arg2[%dma_start3A_160, %dma_start3A_161] : memref<10000x128xf32, #tpu.memory_space<hbm>> -> memref<10000x128xf32, #tpu.memory_space<hbm>>
    tpu.enqueue_indirect_dma source(%dma_start3A_162 : memref<10000x128xf32, #tpu.memory_space<hbm>>) target(%dma_start3A_158 : memref<40x128xf32, #tpu.memory_space<vmem>>) offsets(%dma_start3A_159 : memref<40xi32, #tpu.memory_space<vmem>>) semaphore(%arg16 : memref<!tpu.dma_semaphore, #tpu.memory_space<semaphore_mem>>)
    %multiple_of3A_163 = arith.constant 200 : i32
    %multiple_of3A_164 = tpu.assume_multiple %multiple_of3A_163, 8 : i32
    %dma_start3A_165 = arith.constant 40 : i32
    %dma_start3A_166 = arith.constant 0 : i32
    %dma_start3A_167 = tpu.memref_slice %arg13[%dma_start3A_165, %dma_start3A_166] : memref<80x128xf32, #tpu.memory_space<vmem>> -> memref<40x128xf32, #tpu.memory_space<vmem>>
    %dma_start3A_168 = tpu.memref_slice %arg7[%multiple_of3A_164] : memref<10000xi32, #tpu.memory_space<vmem>> -> memref<40xi32, #tpu.memory_space<vmem>>
    %dma_start3A_169 = arith.constant 0 : i32
    %dma_start3A_170 = arith.constant 0 : i32
    %dma_start3A_171 = tpu.memref_slice %arg2[%dma_start3A_169, %dma_start3A_170] : memref<10000x128xf32, #tpu.memory_space<hbm>> -> memref<10000x128xf32, #tpu.memory_space<hbm>>
    tpu.enqueue_indirect_dma source(%dma_start3A_171 : memref<10000x128xf32, #tpu.memory_space<hbm>>) target(%dma_start3A_167 : memref<40x128xf32, #tpu.memory_space<vmem>>) offsets(%dma_start3A_168 : memref<40xi32, #tpu.memory_space<vmem>>) semaphore(%arg16 : memref<!tpu.dma_semaphore, #tpu.memory_space<semaphore_mem>>)
    %barrier3A = arith.constant 0 : index
    tpu.barrier barrier_id(%barrier3A)
    %scan3A_172 = arith.constant 0 : i32
    %scan3A_173 = arith.constant 0 : i32
    %scan3A_174 = arith.constant 125 : i32
    %scan3A_175 = arith.addi %scan3A_173, %scan3A_174 : i32
    %scan3A_176 = arith.constant 1 : i32
    scf.for %scan3A_186 = %scan3A_173 to %scan3A_175 step %scan3A_176  : i32 {
      %jit3A_187 = arith.constant 3 : i32
      %eq3A_188 = arith.constant 0 : i32
      %eq3A_189 = arith.cmpi eq, %jit3A_187, %eq3A_188 : i32
      %jit3A_190 = arith.constant 1 : i32
      %select_n3A_191 = arith.select %eq3A_189, %jit3A_190, %jit3A_187 : i32
      %rem3A = arith.remsi %scan3A_186, %select_n3A_191 : i32
      %ne3A = arith.constant 0 : i32
      %ne3A_192 = arith.cmpi ne, %rem3A, %ne3A : i32
      %lt3A_193 = arith.constant 0 : i32
      %lt3A_194 = arith.cmpi slt, %rem3A, %lt3A_193 : i32
      %lt3A_195 = arith.constant 0 : i32
      %lt3A_196 = arith.cmpi slt, %select_n3A_191, %lt3A_195 : i32
      %ne3A_197 = arith.xori %lt3A_194, %lt3A_196 : i1
      %and3A = arith.andi %ne3A_197, %ne3A_192 : i1
      %add3A_198 = arith.addi %rem3A, %select_n3A_191 : i32
      %select_n3A_199 = arith.select %and3A, %add3A_198, %rem3A : i32
      %eq3A_200 = arith.constant 0 : i32
      %eq3A_201 = arith.cmpi eq, %select_n3A_199, %eq3A_200 : i32
      %convert_element_type3A_202 = arith.extui %eq3A_201 : i1 to i32
      %cond3A_203 = arith.constant 0 : i32
      %cond3A_204 = arith.cmpi ne, %convert_element_type3A_202, %cond3A_203 : i32
      scf.if %cond3A_204 {
        %mul3A_247 = arith.constant 10000 : i32
        %mul3A_248 = arith.muli %add3A, %mul3A_247 : i32
        %mul3A_249 = arith.constant 80 : i32
        %mul3A_250 = arith.muli %scan3A_186, %mul3A_249 : i32
        %add3A_251 = arith.addi %mul3A_248, %mul3A_250 : i32
        %add3A_252 = arith.constant 0 : i32
        %add3A_253 = arith.addi %add3A_251, %add3A_252 : i32
        %multiple_of3A_254 = tpu.assume_multiple %add3A_253, 8 : i32
        %dma_wait3A_255 = arith.constant 0 : i32
        %dma_wait3A_256 = arith.constant 0 : i32
        %dma_wait3A_257 = tpu.memref_slice %arg8[%dma_wait3A_255, %dma_wait3A_256] : memref<16x40xi32, #tpu.memory_space<vmem>> -> memref<1x40xi32, #tpu.memory_space<vmem>>
        %dma_wait3A_258 = tpu.memref_squeeze %dma_wait3A_257 : memref<1x40xi32, #tpu.memory_space<vmem>> -> memref<40xi32, #tpu.memory_space<vmem>>
        %dma_wait3A_259 = tpu.memref_slice %arg4[%multiple_of3A_254] : memref<320000xi32, #tpu.memory_space<hbm>> -> memref<40xi32, #tpu.memory_space<hbm>>
        %dma_wait3A_260 = arith.constant 0 : i32
        %dma_wait3A_261 = tpu.memref_slice %arg8[%dma_wait3A_255, %dma_wait3A_260] : memref<16x40xi32, #tpu.memory_space<vmem>> -> memref<1x40xi32, #tpu.memory_space<vmem>>
        %dma_wait3A_262 = tpu.memref_squeeze %dma_wait3A_261 : memref<1x40xi32, #tpu.memory_space<vmem>> -> memref<40xi32, #tpu.memory_space<vmem>>
        %dma_wait3A_263 = tpu.memref_slice %arg4[%multiple_of3A_254] : memref<320000xi32, #tpu.memory_space<hbm>> -> memref<40xi32, #tpu.memory_space<hbm>>
        tpu.wait_dma2 semaphore(%arg17 : memref<!tpu.dma_semaphore, #tpu.memory_space<semaphore_mem>>) src(%dma_wait3A_263 : memref<40xi32, #tpu.memory_space<hbm>>) dst(%dma_wait3A_262 : memref<40xi32, #tpu.memory_space<vmem>>)
        %mul3A_264 = arith.constant 10000 : i32
        %mul3A_265 = arith.muli %add3A, %mul3A_264 : i32
        %mul3A_266 = arith.constant 80 : i32
        %mul3A_267 = arith.muli %scan3A_186, %mul3A_266 : i32
        %add3A_268 = arith.addi %mul3A_265, %mul3A_267 : i32
        %add3A_269 = arith.constant 40 : i32
        %add3A_270 = arith.addi %add3A_268, %add3A_269 : i32
        %multiple_of3A_271 = tpu.assume_multiple %add3A_270, 8 : i32
        %dma_wait3A_272 = arith.constant 8 : i32
        %dma_wait3A_273 = arith.constant 0 : i32
        %dma_wait3A_274 = tpu.memref_slice %arg8[%dma_wait3A_272, %dma_wait3A_273] : memref<16x40xi32, #tpu.memory_space<vmem>> -> memref<1x40xi32, #tpu.memory_space<vmem>>
        %dma_wait3A_275 = tpu.memref_squeeze %dma_wait3A_274 : memref<1x40xi32, #tpu.memory_space<vmem>> -> memref<40xi32, #tpu.memory_space<vmem>>
        %dma_wait3A_276 = tpu.memref_slice %arg4[%multiple_of3A_271] : memref<320000xi32, #tpu.memory_space<hbm>> -> memref<40xi32, #tpu.memory_space<hbm>>
        %dma_wait3A_277 = arith.constant 0 : i32
        %dma_wait3A_278 = tpu.memref_slice %arg8[%dma_wait3A_272, %dma_wait3A_277] : memref<16x40xi32, #tpu.memory_space<vmem>> -> memref<1x40xi32, #tpu.memory_space<vmem>>
        %dma_wait3A_279 = tpu.memref_squeeze %dma_wait3A_278 : memref<1x40xi32, #tpu.memory_space<vmem>> -> memref<40xi32, #tpu.memory_space<vmem>>
        %dma_wait3A_280 = tpu.memref_slice %arg4[%multiple_of3A_271] : memref<320000xi32, #tpu.memory_space<hbm>> -> memref<40xi32, #tpu.memory_space<hbm>>
        tpu.wait_dma2 semaphore(%arg17 : memref<!tpu.dma_semaphore, #tpu.memory_space<semaphore_mem>>) src(%dma_wait3A_280 : memref<40xi32, #tpu.memory_space<hbm>>) dst(%dma_wait3A_279 : memref<40xi32, #tpu.memory_space<vmem>>)
        %mul3A_281 = arith.constant 80 : i32
        %mul3A_282 = arith.muli %scan3A_186, %mul3A_281 : i32
        %add3A_283 = arith.constant 0 : i32
        %add3A_284 = arith.addi %mul3A_282, %add3A_283 : i32
        %multiple_of3A_285 = tpu.assume_multiple %add3A_284, 8 : i32
        %dma_wait3A_286 = arith.constant 0 : i32
        %dma_wait3A_287 = arith.constant 0 : i32
        %dma_wait3A_288 = tpu.memref_slice %arg11[%dma_wait3A_286, %dma_wait3A_287] : memref<80x128xf32, #tpu.memory_space<vmem>> -> memref<40x128xf32, #tpu.memory_space<vmem>>
        %dma_wait3A_289 = tpu.memref_slice %arg7[%multiple_of3A_285] : memref<10000xi32, #tpu.memory_space<vmem>> -> memref<40xi32, #tpu.memory_space<vmem>>
        %dma_wait3A_290 = arith.constant 0 : i32
        %dma_wait3A_291 = arith.constant 0 : i32
        %dma_wait3A_292 = tpu.memref_slice %arg2[%dma_wait3A_290, %dma_wait3A_291] : memref<10000x128xf32, #tpu.memory_space<hbm>> -> memref<10000x128xf32, #tpu.memory_space<hbm>>
        tpu.wait_indirect_dma semaphore(%arg14 : memref<!tpu.dma_semaphore, #tpu.memory_space<semaphore_mem>>) src(%dma_wait3A_292 : memref<10000x128xf32, #tpu.memory_space<hbm>>) dst(%dma_wait3A_288 : memref<40x128xf32, #tpu.memory_space<vmem>>)
        %mul3A_293 = arith.constant 80 : i32
        %mul3A_294 = arith.muli %scan3A_186, %mul3A_293 : i32
        %add3A_295 = arith.constant 40 : i32
        %add3A_296 = arith.addi %mul3A_294, %add3A_295 : i32
        %multiple_of3A_297 = tpu.assume_multiple %add3A_296, 8 : i32
        %dma_wait3A_298 = arith.constant 40 : i32
        %dma_wait3A_299 = arith.constant 0 : i32
        %dma_wait3A_300 = tpu.memref_slice %arg11[%dma_wait3A_298, %dma_wait3A_299] : memref<80x128xf32, #tpu.memory_space<vmem>> -> memref<40x128xf32, #tpu.memory_space<vmem>>
        %dma_wait3A_301 = tpu.memref_slice %arg7[%multiple_of3A_297] : memref<10000xi32, #tpu.memory_space<vmem>> -> memref<40xi32, #tpu.memory_space<vmem>>
        %dma_wait3A_302 = arith.constant 0 : i32
        %dma_wait3A_303 = arith.constant 0 : i32
        %dma_wait3A_304 = tpu.memref_slice %arg2[%dma_wait3A_302, %dma_wait3A_303] : memref<10000x128xf32, #tpu.memory_space<hbm>> -> memref<10000x128xf32, #tpu.memory_space<hbm>>
        tpu.wait_indirect_dma semaphore(%arg14 : memref<!tpu.dma_semaphore, #tpu.memory_space<semaphore_mem>>) src(%dma_wait3A_304 : memref<10000x128xf32, #tpu.memory_space<hbm>>) dst(%dma_wait3A_300 : memref<40x128xf32, #tpu.memory_space<vmem>>)
        %dma_start3A_305 = arith.constant 0 : i32
        %dma_start3A_306 = arith.constant 0 : i32
        %dma_start3A_307 = arith.constant 0 : i32
        %dma_start3A_308 = tpu.memref_slice %arg11[%dma_start3A_306, %dma_start3A_307] : memref<80x128xf32, #tpu.memory_space<vmem>> -> memref<40x128xf32, #tpu.memory_space<vmem>>
        %dma_start3A_309 = arith.constant 0 : i32
        %dma_start3A_310 = tpu.memref_slice %arg8[%dma_start3A_305, %dma_start3A_309] : memref<16x40xi32, #tpu.memory_space<vmem>> -> memref<1x40xi32, #tpu.memory_space<vmem>>
        %dma_start3A_311 = tpu.memref_squeeze %dma_start3A_310 : memref<1x40xi32, #tpu.memory_space<vmem>> -> memref<40xi32, #tpu.memory_space<vmem>>
        %dma_start3A_312 = arith.constant 0 : i32
        %dma_start3A_313 = arith.constant 0 : i32
        %dma_start3A_314 = tpu.memref_slice %arg6[%dma_start3A_312, %dma_start3A_313] : memref<10000x128xf32, #tpu.memory_space<vmem_shared>> -> memref<10000x128xf32, #tpu.memory_space<vmem_shared>>
        tpu.enqueue_indirect_dma source(%dma_start3A_308 : memref<40x128xf32, #tpu.memory_space<vmem>>) target(%dma_start3A_314 : memref<10000x128xf32, #tpu.memory_space<vmem_shared>>) offsets(%dma_start3A_311 : memref<40xi32, #tpu.memory_space<vmem>>) semaphore(%arg20 : memref<!tpu.dma_semaphore, #tpu.memory_space<semaphore_mem>>) {add = true}
        %dma_start3A_315 = arith.constant 8 : i32
        %dma_start3A_316 = arith.constant 40 : i32
        %dma_start3A_317 = arith.constant 0 : i32
        %dma_start3A_318 = tpu.memref_slice %arg11[%dma_start3A_316, %dma_start3A_317] : memref<80x128xf32, #tpu.memory_space<vmem>> -> memref<40x128xf32, #tpu.memory_space<vmem>>
        %dma_start3A_319 = arith.constant 0 : i32
        %dma_start3A_320 = tpu.memref_slice %arg8[%dma_start3A_315, %dma_start3A_319] : memref<16x40xi32, #tpu.memory_space<vmem>> -> memref<1x40xi32, #tpu.memory_space<vmem>>
        %dma_start3A_321 = tpu.memref_squeeze %dma_start3A_320 : memref<1x40xi32, #tpu.memory_space<vmem>> -> memref<40xi32, #tpu.memory_space<vmem>>
        %dma_start3A_322 = arith.constant 0 : i32
        %dma_start3A_323 = arith.constant 0 : i32
        %dma_start3A_324 = tpu.memref_slice %arg6[%dma_start3A_322, %dma_start3A_323] : memref<10000x128xf32, #tpu.memory_space<vmem_shared>> -> memref<10000x128xf32, #tpu.memory_space<vmem_shared>>
        tpu.enqueue_indirect_dma source(%dma_start3A_318 : memref<40x128xf32, #tpu.memory_space<vmem>>) target(%dma_start3A_324 : memref<10000x128xf32, #tpu.memory_space<vmem_shared>>) offsets(%dma_start3A_321 : memref<40xi32, #tpu.memory_space<vmem>>) semaphore(%arg20 : memref<!tpu.dma_semaphore, #tpu.memory_space<semaphore_mem>>) {add = true}
        %dma_wait3A_325 = arith.constant 0 : i32
        %dma_wait3A_326 = arith.constant 0 : i32
        %dma_wait3A_327 = arith.constant 0 : i32
        %dma_wait3A_328 = tpu.memref_slice %arg11[%dma_wait3A_326, %dma_wait3A_327] : memref<80x128xf32, #tpu.memory_space<vmem>> -> memref<40x128xf32, #tpu.memory_space<vmem>>
        %dma_wait3A_329 = arith.constant 0 : i32
        %dma_wait3A_330 = tpu.memref_slice %arg8[%dma_wait3A_325, %dma_wait3A_329] : memref<16x40xi32, #tpu.memory_space<vmem>> -> memref<1x40xi32, #tpu.memory_space<vmem>>
        %dma_wait3A_331 = tpu.memref_squeeze %dma_wait3A_330 : memref<1x40xi32, #tpu.memory_space<vmem>> -> memref<40xi32, #tpu.memory_space<vmem>>
        %dma_wait3A_332 = arith.constant 0 : i32
        %dma_wait3A_333 = arith.constant 0 : i32
        %dma_wait3A_334 = tpu.memref_slice %arg6[%dma_wait3A_332, %dma_wait3A_333] : memref<10000x128xf32, #tpu.memory_space<vmem_shared>> -> memref<10000x128xf32, #tpu.memory_space<vmem_shared>>
        tpu.wait_indirect_dma semaphore(%arg20 : memref<!tpu.dma_semaphore, #tpu.memory_space<semaphore_mem>>) src(%dma_wait3A_328 : memref<40x128xf32, #tpu.memory_space<vmem>>) dst(%dma_wait3A_334 : memref<10000x128xf32, #tpu.memory_space<vmem_shared>>)
        %dma_wait3A_335 = arith.constant 8 : i32
        %dma_wait3A_336 = arith.constant 40 : i32
        %dma_wait3A_337 = arith.constant 0 : i32
        %dma_wait3A_338 = tpu.memref_slice %arg11[%dma_wait3A_336, %dma_wait3A_337] : memref<80x128xf32, #tpu.memory_space<vmem>> -> memref<40x128xf32, #tpu.memory_space<vmem>>
        %dma_wait3A_339 = arith.constant 0 : i32
        %dma_wait3A_340 = tpu.memref_slice %arg8[%dma_wait3A_335, %dma_wait3A_339] : memref<16x40xi32, #tpu.memory_space<vmem>> -> memref<1x40xi32, #tpu.memory_space<vmem>>
        %dma_wait3A_341 = tpu.memref_squeeze %dma_wait3A_340 : memref<1x40xi32, #tpu.memory_space<vmem>> -> memref<40xi32, #tpu.memory_space<vmem>>
        %dma_wait3A_342 = arith.constant 0 : i32
        %dma_wait3A_343 = arith.constant 0 : i32
        %dma_wait3A_344 = tpu.memref_slice %arg6[%dma_wait3A_342, %dma_wait3A_343] : memref<10000x128xf32, #tpu.memory_space<vmem_shared>> -> memref<10000x128xf32, #tpu.memory_space<vmem_shared>>
        tpu.wait_indirect_dma semaphore(%arg20 : memref<!tpu.dma_semaphore, #tpu.memory_space<semaphore_mem>>) src(%dma_wait3A_338 : memref<40x128xf32, #tpu.memory_space<vmem>>) dst(%dma_wait3A_344 : memref<10000x128xf32, #tpu.memory_space<vmem_shared>>)
        %add3A_345 = arith.constant 3 : i32
        %add3A_346 = arith.addi %scan3A_186, %add3A_345 : i32
        %lt3A_347 = arith.constant 125 : i32
        %lt3A_348 = arith.cmpi slt, %add3A_346, %lt3A_347 : i32
        %convert_element_type3A_349 = arith.extui %lt3A_348 : i1 to i32
        %cond3A_350 = arith.constant 0 : i32
        %cond3A_351 = arith.cmpi ne, %convert_element_type3A_349, %cond3A_350 : i32
        scf.if %cond3A_351 {
          %add3A_352 = arith.constant 3 : i32
          %add3A_353 = arith.addi %scan3A_186, %add3A_352 : i32
          %mul3A_354 = arith.constant 10000 : i32
          %mul3A_355 = arith.muli %add3A, %mul3A_354 : i32
          %mul3A_356 = arith.constant 80 : i32
          %mul3A_357 = arith.muli %add3A_353, %mul3A_356 : i32
          %add3A_358 = arith.addi %mul3A_355, %mul3A_357 : i32
          %add3A_359 = arith.constant 0 : i32
          %add3A_360 = arith.addi %add3A_358, %add3A_359 : i32
          %multiple_of3A_361 = tpu.assume_multiple %add3A_360, 8 : i32
          %dma_start3A_362 = arith.constant 0 : i32
          %dma_start3A_363 = arith.constant 0 : i32
          %dma_start3A_364 = tpu.memref_slice %arg8[%dma_start3A_362, %dma_start3A_363] : memref<16x40xi32, #tpu.memory_space<vmem>> -> memref<1x40xi32, #tpu.memory_space<vmem>>
          %dma_start3A_365 = tpu.memref_squeeze %dma_start3A_364 : memref<1x40xi32, #tpu.memory_space<vmem>> -> memref<40xi32, #tpu.memory_space<vmem>>
          %dma_start3A_366 = tpu.memref_slice %arg4[%multiple_of3A_361] : memref<320000xi32, #tpu.memory_space<hbm>> -> memref<40xi32, #tpu.memory_space<hbm>>
          %dma_start3A_367 = arith.constant 0 : i32
          %dma_start3A_368 = tpu.memref_slice %arg8[%dma_start3A_362, %dma_start3A_367] : memref<16x40xi32, #tpu.memory_space<vmem>> -> memref<1x40xi32, #tpu.memory_space<vmem>>
          %dma_start3A_369 = tpu.memref_squeeze %dma_start3A_368 : memref<1x40xi32, #tpu.memory_space<vmem>> -> memref<40xi32, #tpu.memory_space<vmem>>
          %dma_start3A_370 = tpu.memref_slice %arg4[%multiple_of3A_361] : memref<320000xi32, #tpu.memory_space<hbm>> -> memref<40xi32, #tpu.memory_space<hbm>>
          tpu.enqueue_dma source(%dma_start3A_370 : memref<40xi32, #tpu.memory_space<hbm>>) target(%dma_start3A_369 : memref<40xi32, #tpu.memory_space<vmem>>) target_semaphore(%arg17 : memref<!tpu.dma_semaphore, #tpu.memory_space<semaphore_mem>>)
          %mul3A_371 = arith.constant 10000 : i32
          %mul3A_372 = arith.muli %add3A, %mul3A_371 : i32
          %mul3A_373 = arith.constant 80 : i32
          %mul3A_374 = arith.muli %add3A_353, %mul3A_373 : i32
          %add3A_375 = arith.addi %mul3A_372, %mul3A_374 : i32
          %add3A_376 = arith.constant 40 : i32
          %add3A_377 = arith.addi %add3A_375, %add3A_376 : i32
          %multiple_of3A_378 = tpu.assume_multiple %add3A_377, 8 : i32
          %dma_start3A_379 = arith.constant 8 : i32
          %dma_start3A_380 = arith.constant 0 : i32
          %dma_start3A_381 = tpu.memref_slice %arg8[%dma_start3A_379, %dma_start3A_380] : memref<16x40xi32, #tpu.memory_space<vmem>> -> memref<1x40xi32, #tpu.memory_space<vmem>>
          %dma_start3A_382 = tpu.memref_squeeze %dma_start3A_381 : memref<1x40xi32, #tpu.memory_space<vmem>> -> memref<40xi32, #tpu.memory_space<vmem>>
          %dma_start3A_383 = tpu.memref_slice %arg4[%multiple_of3A_378] : memref<320000xi32, #tpu.memory_space<hbm>> -> memref<40xi32, #tpu.memory_space<hbm>>
          %dma_start3A_384 = arith.constant 0 : i32
          %dma_start3A_385 = tpu.memref_slice %arg8[%dma_start3A_379, %dma_start3A_384] : memref<16x40xi32, #tpu.memory_space<vmem>> -> memref<1x40xi32, #tpu.memory_space<vmem>>
          %dma_start3A_386 = tpu.memref_squeeze %dma_start3A_385 : memref<1x40xi32, #tpu.memory_space<vmem>> -> memref<40xi32, #tpu.memory_space<vmem>>
          %dma_start3A_387 = tpu.memref_slice %arg4[%multiple_of3A_378] : memref<320000xi32, #tpu.memory_space<hbm>> -> memref<40xi32, #tpu.memory_space<hbm>>
          tpu.enqueue_dma source(%dma_start3A_387 : memref<40xi32, #tpu.memory_space<hbm>>) target(%dma_start3A_386 : memref<40xi32, #tpu.memory_space<vmem>>) target_semaphore(%arg17 : memref<!tpu.dma_semaphore, #tpu.memory_space<semaphore_mem>>)
          %add3A_388 = arith.constant 3 : i32
          %add3A_389 = arith.addi %scan3A_186, %add3A_388 : i32
          %mul3A_390 = arith.constant 80 : i32
          %mul3A_391 = arith.muli %add3A_389, %mul3A_390 : i32
          %add3A_392 = arith.constant 0 : i32
          %add3A_393 = arith.addi %mul3A_391, %add3A_392 : i32
          %multiple_of3A_394 = tpu.assume_multiple %add3A_393, 8 : i32
          %dma_start3A_395 = arith.constant 0 : i32
          %dma_start3A_396 = arith.constant 0 : i32
          %dma_start3A_397 = tpu.memref_slice %arg11[%dma_start3A_395, %dma_start3A_396] : memref<80x128xf32, #tpu.memory_space<vmem>> -> memref<40x128xf32, #tpu.memory_space<vmem>>
          %dma_start3A_398 = tpu.memref_slice %arg7[%multiple_of3A_394] : memref<10000xi32, #tpu.memory_space<vmem>> -> memref<40xi32, #tpu.memory_space<vmem>>
          %dma_start3A_399 = arith.constant 0 : i32
          %dma_start3A_400 = arith.constant 0 : i32
          %dma_start3A_401 = tpu.memref_slice %arg2[%dma_start3A_399, %dma_start3A_400] : memref<10000x128xf32, #tpu.memory_space<hbm>> -> memref<10000x128xf32, #tpu.memory_space<hbm>>
          tpu.enqueue_indirect_dma source(%dma_start3A_401 : memref<10000x128xf32, #tpu.memory_space<hbm>>) target(%dma_start3A_397 : memref<40x128xf32, #tpu.memory_space<vmem>>) offsets(%dma_start3A_398 : memref<40xi32, #tpu.memory_space<vmem>>) semaphore(%arg14 : memref<!tpu.dma_semaphore, #tpu.memory_space<semaphore_mem>>)
          %mul3A_402 = arith.constant 80 : i32
          %mul3A_403 = arith.muli %add3A_389, %mul3A_402 : i32
          %add3A_404 = arith.constant 40 : i32
          %add3A_405 = arith.addi %mul3A_403, %add3A_404 : i32
          %multiple_of3A_406 = tpu.assume_multiple %add3A_405, 8 : i32
          %dma_start3A_407 = arith.constant 40 : i32
          %dma_start3A_408 = arith.constant 0 : i32
          %dma_start3A_409 = tpu.memref_slice %arg11[%dma_start3A_407, %dma_start3A_408] : memref<80x128xf32, #tpu.memory_space<vmem>> -> memref<40x128xf32, #tpu.memory_space<vmem>>
          %dma_start3A_410 = tpu.memref_slice %arg7[%multiple_of3A_406] : memref<10000xi32, #tpu.memory_space<vmem>> -> memref<40xi32, #tpu.memory_space<vmem>>
          %dma_start3A_411 = arith.constant 0 : i32
          %dma_start3A_412 = arith.constant 0 : i32
          %dma_start3A_413 = tpu.memref_slice %arg2[%dma_start3A_411, %dma_start3A_412] : memref<10000x128xf32, #tpu.memory_space<hbm>> -> memref<10000x128xf32, #tpu.memory_space<hbm>>
          tpu.enqueue_indirect_dma source(%dma_start3A_413 : memref<10000x128xf32, #tpu.memory_space<hbm>>) target(%dma_start3A_409 : memref<40x128xf32, #tpu.memory_space<vmem>>) offsets(%dma_start3A_410 : memref<40xi32, #tpu.memory_space<vmem>>) semaphore(%arg14 : memref<!tpu.dma_semaphore, #tpu.memory_space<semaphore_mem>>)
        } else {
        }
      } else {
      }
      %jit3A_205 = arith.constant 3 : i32
      %eq3A_206 = arith.constant 0 : i32
      %eq3A_207 = arith.cmpi eq, %jit3A_205, %eq3A_206 : i32
      %jit3A_208 = arith.constant 1 : i32
      %select_n3A_209 = arith.select %eq3A_207, %jit3A_208, %jit3A_205 : i32
      %rem3A_210 = arith.remsi %scan3A_186, %select_n3A_209 : i32
      %ne3A_211 = arith.constant 0 : i32
      %ne3A_212 = arith.cmpi ne, %rem3A_210, %ne3A_211 : i32
      %lt3A_213 = arith.constant 0 : i32
      %lt3A_214 = arith.cmpi slt, %rem3A_210, %lt3A_213 : i32
      %lt3A_215 = arith.constant 0 : i32
      %lt3A_216 = arith.cmpi slt, %select_n3A_209, %lt3A_215 : i32
      %ne3A_217 = arith.xori %lt3A_214, %lt3A_216 : i1
      %and3A_218 = arith.andi %ne3A_217, %ne3A_212 : i1
      %add3A_219 = arith.addi %rem3A_210, %select_n3A_209 : i32
      %select_n3A_220 = arith.select %and3A_218, %add3A_219, %rem3A_210 : i32
      %eq3A_221 = arith.constant 1 : i32
      %eq3A_222 = arith.cmpi eq, %select_n3A_220, %eq3A_221 : i32
      %convert_element_type3A_223 = arith.extui %eq3A_222 : i1 to i32
      %cond3A_224 = arith.constant 0 : i32
      %cond3A_225 = arith.cmpi ne, %convert_element_type3A_223, %cond3A_224 : i32
      scf.if %cond3A_225 {
        %mul3A_247 = arith.constant 10000 : i32
        %mul3A_248 = arith.muli %add3A, %mul3A_247 : i32
        %mul3A_249 = arith.constant 80 : i32
        %mul3A_250 = arith.muli %scan3A_186, %mul3A_249 : i32
        %add3A_251 = arith.addi %mul3A_248, %mul3A_250 : i32
        %add3A_252 = arith.constant 0 : i32
        %add3A_253 = arith.addi %add3A_251, %add3A_252 : i32
        %multiple_of3A_254 = tpu.assume_multiple %add3A_253, 8 : i32
        %dma_wait3A_255 = arith.constant 0 : i32
        %dma_wait3A_256 = arith.constant 0 : i32
        %dma_wait3A_257 = tpu.memref_slice %arg9[%dma_wait3A_255, %dma_wait3A_256] : memref<16x40xi32, #tpu.memory_space<vmem>> -> memref<1x40xi32, #tpu.memory_space<vmem>>
        %dma_wait3A_258 = tpu.memref_squeeze %dma_wait3A_257 : memref<1x40xi32, #tpu.memory_space<vmem>> -> memref<40xi32, #tpu.memory_space<vmem>>
        %dma_wait3A_259 = tpu.memref_slice %arg4[%multiple_of3A_254] : memref<320000xi32, #tpu.memory_space<hbm>> -> memref<40xi32, #tpu.memory_space<hbm>>
        %dma_wait3A_260 = arith.constant 0 : i32
        %dma_wait3A_261 = tpu.memref_slice %arg9[%dma_wait3A_255, %dma_wait3A_260] : memref<16x40xi32, #tpu.memory_space<vmem>> -> memref<1x40xi32, #tpu.memory_space<vmem>>
        %dma_wait3A_262 = tpu.memref_squeeze %dma_wait3A_261 : memref<1x40xi32, #tpu.memory_space<vmem>> -> memref<40xi32, #tpu.memory_space<vmem>>
        %dma_wait3A_263 = tpu.memref_slice %arg4[%multiple_of3A_254] : memref<320000xi32, #tpu.memory_space<hbm>> -> memref<40xi32, #tpu.memory_space<hbm>>
        tpu.wait_dma2 semaphore(%arg18 : memref<!tpu.dma_semaphore, #tpu.memory_space<semaphore_mem>>) src(%dma_wait3A_263 : memref<40xi32, #tpu.memory_space<hbm>>) dst(%dma_wait3A_262 : memref<40xi32, #tpu.memory_space<vmem>>)
        %mul3A_264 = arith.constant 10000 : i32
        %mul3A_265 = arith.muli %add3A, %mul3A_264 : i32
        %mul3A_266 = arith.constant 80 : i32
        %mul3A_267 = arith.muli %scan3A_186, %mul3A_266 : i32
        %add3A_268 = arith.addi %mul3A_265, %mul3A_267 : i32
        %add3A_269 = arith.constant 40 : i32
        %add3A_270 = arith.addi %add3A_268, %add3A_269 : i32
        %multiple_of3A_271 = tpu.assume_multiple %add3A_270, 8 : i32
        %dma_wait3A_272 = arith.constant 8 : i32
        %dma_wait3A_273 = arith.constant 0 : i32
        %dma_wait3A_274 = tpu.memref_slice %arg9[%dma_wait3A_272, %dma_wait3A_273] : memref<16x40xi32, #tpu.memory_space<vmem>> -> memref<1x40xi32, #tpu.memory_space<vmem>>
        %dma_wait3A_275 = tpu.memref_squeeze %dma_wait3A_274 : memref<1x40xi32, #tpu.memory_space<vmem>> -> memref<40xi32, #tpu.memory_space<vmem>>
        %dma_wait3A_276 = tpu.memref_slice %arg4[%multiple_of3A_271] : memref<320000xi32, #tpu.memory_space<hbm>> -> memref<40xi32, #tpu.memory_space<hbm>>
        %dma_wait3A_277 = arith.constant 0 : i32
        %dma_wait3A_278 = tpu.memref_slice %arg9[%dma_wait3A_272, %dma_wait3A_277] : memref<16x40xi32, #tpu.memory_space<vmem>> -> memref<1x40xi32, #tpu.memory_space<vmem>>
        %dma_wait3A_279 = tpu.memref_squeeze %dma_wait3A_278 : memref<1x40xi32, #tpu.memory_space<vmem>> -> memref<40xi32, #tpu.memory_space<vmem>>
        %dma_wait3A_280 = tpu.memref_slice %arg4[%multiple_of3A_271] : memref<320000xi32, #tpu.memory_space<hbm>> -> memref<40xi32, #tpu.memory_space<hbm>>
        tpu.wait_dma2 semaphore(%arg18 : memref<!tpu.dma_semaphore, #tpu.memory_space<semaphore_mem>>) src(%dma_wait3A_280 : memref<40xi32, #tpu.memory_space<hbm>>) dst(%dma_wait3A_279 : memref<40xi32, #tpu.memory_space<vmem>>)
        %mul3A_281 = arith.constant 80 : i32
        %mul3A_282 = arith.muli %scan3A_186, %mul3A_281 : i32
        %add3A_283 = arith.constant 0 : i32
        %add3A_284 = arith.addi %mul3A_282, %add3A_283 : i32
        %multiple_of3A_285 = tpu.assume_multiple %add3A_284, 8 : i32
        %dma_wait3A_286 = arith.constant 0 : i32
        %dma_wait3A_287 = arith.constant 0 : i32
        %dma_wait3A_288 = tpu.memref_slice %arg12[%dma_wait3A_286, %dma_wait3A_287] : memref<80x128xf32, #tpu.memory_space<vmem>> -> memref<40x128xf32, #tpu.memory_space<vmem>>
        %dma_wait3A_289 = tpu.memref_slice %arg7[%multiple_of3A_285] : memref<10000xi32, #tpu.memory_space<vmem>> -> memref<40xi32, #tpu.memory_space<vmem>>
        %dma_wait3A_290 = arith.constant 0 : i32
        %dma_wait3A_291 = arith.constant 0 : i32
        %dma_wait3A_292 = tpu.memref_slice %arg2[%dma_wait3A_290, %dma_wait3A_291] : memref<10000x128xf32, #tpu.memory_space<hbm>> -> memref<10000x128xf32, #tpu.memory_space<hbm>>
        tpu.wait_indirect_dma semaphore(%arg15 : memref<!tpu.dma_semaphore, #tpu.memory_space<semaphore_mem>>) src(%dma_wait3A_292 : memref<10000x128xf32, #tpu.memory_space<hbm>>) dst(%dma_wait3A_288 : memref<40x128xf32, #tpu.memory_space<vmem>>)
        %mul3A_293 = arith.constant 80 : i32
        %mul3A_294 = arith.muli %scan3A_186, %mul3A_293 : i32
        %add3A_295 = arith.constant 40 : i32
        %add3A_296 = arith.addi %mul3A_294, %add3A_295 : i32
        %multiple_of3A_297 = tpu.assume_multiple %add3A_296, 8 : i32
        %dma_wait3A_298 = arith.constant 40 : i32
        %dma_wait3A_299 = arith.constant 0 : i32
        %dma_wait3A_300 = tpu.memref_slice %arg12[%dma_wait3A_298, %dma_wait3A_299] : memref<80x128xf32, #tpu.memory_space<vmem>> -> memref<40x128xf32, #tpu.memory_space<vmem>>
        %dma_wait3A_301 = tpu.memref_slice %arg7[%multiple_of3A_297] : memref<10000xi32, #tpu.memory_space<vmem>> -> memref<40xi32, #tpu.memory_space<vmem>>
        %dma_wait3A_302 = arith.constant 0 : i32
        %dma_wait3A_303 = arith.constant 0 : i32
        %dma_wait3A_304 = tpu.memref_slice %arg2[%dma_wait3A_302, %dma_wait3A_303] : memref<10000x128xf32, #tpu.memory_space<hbm>> -> memref<10000x128xf32, #tpu.memory_space<hbm>>
        tpu.wait_indirect_dma semaphore(%arg15 : memref<!tpu.dma_semaphore, #tpu.memory_space<semaphore_mem>>) src(%dma_wait3A_304 : memref<10000x128xf32, #tpu.memory_space<hbm>>) dst(%dma_wait3A_300 : memref<40x128xf32, #tpu.memory_space<vmem>>)
        %dma_start3A_305 = arith.constant 0 : i32
        %dma_start3A_306 = arith.constant 0 : i32
        %dma_start3A_307 = arith.constant 0 : i32
        %dma_start3A_308 = tpu.memref_slice %arg12[%dma_start3A_306, %dma_start3A_307] : memref<80x128xf32, #tpu.memory_space<vmem>> -> memref<40x128xf32, #tpu.memory_space<vmem>>
        %dma_start3A_309 = arith.constant 0 : i32
        %dma_start3A_310 = tpu.memref_slice %arg9[%dma_start3A_305, %dma_start3A_309] : memref<16x40xi32, #tpu.memory_space<vmem>> -> memref<1x40xi32, #tpu.memory_space<vmem>>
        %dma_start3A_311 = tpu.memref_squeeze %dma_start3A_310 : memref<1x40xi32, #tpu.memory_space<vmem>> -> memref<40xi32, #tpu.memory_space<vmem>>
        %dma_start3A_312 = arith.constant 0 : i32
        %dma_start3A_313 = arith.constant 0 : i32
        %dma_start3A_314 = tpu.memref_slice %arg6[%dma_start3A_312, %dma_start3A_313] : memref<10000x128xf32, #tpu.memory_space<vmem_shared>> -> memref<10000x128xf32, #tpu.memory_space<vmem_shared>>
        tpu.enqueue_indirect_dma source(%dma_start3A_308 : memref<40x128xf32, #tpu.memory_space<vmem>>) target(%dma_start3A_314 : memref<10000x128xf32, #tpu.memory_space<vmem_shared>>) offsets(%dma_start3A_311 : memref<40xi32, #tpu.memory_space<vmem>>) semaphore(%arg21 : memref<!tpu.dma_semaphore, #tpu.memory_space<semaphore_mem>>) {add = true}
        %dma_start3A_315 = arith.constant 8 : i32
        %dma_start3A_316 = arith.constant 40 : i32
        %dma_start3A_317 = arith.constant 0 : i32
        %dma_start3A_318 = tpu.memref_slice %arg12[%dma_start3A_316, %dma_start3A_317] : memref<80x128xf32, #tpu.memory_space<vmem>> -> memref<40x128xf32, #tpu.memory_space<vmem>>
        %dma_start3A_319 = arith.constant 0 : i32
        %dma_start3A_320 = tpu.memref_slice %arg9[%dma_start3A_315, %dma_start3A_319] : memref<16x40xi32, #tpu.memory_space<vmem>> -> memref<1x40xi32, #tpu.memory_space<vmem>>
        %dma_start3A_321 = tpu.memref_squeeze %dma_start3A_320 : memref<1x40xi32, #tpu.memory_space<vmem>> -> memref<40xi32, #tpu.memory_space<vmem>>
        %dma_start3A_322 = arith.constant 0 : i32
        %dma_start3A_323 = arith.constant 0 : i32
        %dma_start3A_324 = tpu.memref_slice %arg6[%dma_start3A_322, %dma_start3A_323] : memref<10000x128xf32, #tpu.memory_space<vmem_shared>> -> memref<10000x128xf32, #tpu.memory_space<vmem_shared>>
        tpu.enqueue_indirect_dma source(%dma_start3A_318 : memref<40x128xf32, #tpu.memory_space<vmem>>) target(%dma_start3A_324 : memref<10000x128xf32, #tpu.memory_space<vmem_shared>>) offsets(%dma_start3A_321 : memref<40xi32, #tpu.memory_space<vmem>>) semaphore(%arg21 : memref<!tpu.dma_semaphore, #tpu.memory_space<semaphore_mem>>) {add = true}
        %dma_wait3A_325 = arith.constant 0 : i32
        %dma_wait3A_326 = arith.constant 0 : i32
        %dma_wait3A_327 = arith.constant 0 : i32
        %dma_wait3A_328 = tpu.memref_slice %arg12[%dma_wait3A_326, %dma_wait3A_327] : memref<80x128xf32, #tpu.memory_space<vmem>> -> memref<40x128xf32, #tpu.memory_space<vmem>>
        %dma_wait3A_329 = arith.constant 0 : i32
        %dma_wait3A_330 = tpu.memref_slice %arg9[%dma_wait3A_325, %dma_wait3A_329] : memref<16x40xi32, #tpu.memory_space<vmem>> -> memref<1x40xi32, #tpu.memory_space<vmem>>
        %dma_wait3A_331 = tpu.memref_squeeze %dma_wait3A_330 : memref<1x40xi32, #tpu.memory_space<vmem>> -> memref<40xi32, #tpu.memory_space<vmem>>
        %dma_wait3A_332 = arith.constant 0 : i32
        %dma_wait3A_333 = arith.constant 0 : i32
        %dma_wait3A_334 = tpu.memref_slice %arg6[%dma_wait3A_332, %dma_wait3A_333] : memref<10000x128xf32, #tpu.memory_space<vmem_shared>> -> memref<10000x128xf32, #tpu.memory_space<vmem_shared>>
        tpu.wait_indirect_dma semaphore(%arg21 : memref<!tpu.dma_semaphore, #tpu.memory_space<semaphore_mem>>) src(%dma_wait3A_328 : memref<40x128xf32, #tpu.memory_space<vmem>>) dst(%dma_wait3A_334 : memref<10000x128xf32, #tpu.memory_space<vmem_shared>>)
        %dma_wait3A_335 = arith.constant 8 : i32
        %dma_wait3A_336 = arith.constant 40 : i32
        %dma_wait3A_337 = arith.constant 0 : i32
        %dma_wait3A_338 = tpu.memref_slice %arg12[%dma_wait3A_336, %dma_wait3A_337] : memref<80x128xf32, #tpu.memory_space<vmem>> -> memref<40x128xf32, #tpu.memory_space<vmem>>
        %dma_wait3A_339 = arith.constant 0 : i32
        %dma_wait3A_340 = tpu.memref_slice %arg9[%dma_wait3A_335, %dma_wait3A_339] : memref<16x40xi32, #tpu.memory_space<vmem>> -> memref<1x40xi32, #tpu.memory_space<vmem>>
        %dma_wait3A_341 = tpu.memref_squeeze %dma_wait3A_340 : memref<1x40xi32, #tpu.memory_space<vmem>> -> memref<40xi32, #tpu.memory_space<vmem>>
        %dma_wait3A_342 = arith.constant 0 : i32
        %dma_wait3A_343 = arith.constant 0 : i32
        %dma_wait3A_344 = tpu.memref_slice %arg6[%dma_wait3A_342, %dma_wait3A_343] : memref<10000x128xf32, #tpu.memory_space<vmem_shared>> -> memref<10000x128xf32, #tpu.memory_space<vmem_shared>>
        tpu.wait_indirect_dma semaphore(%arg21 : memref<!tpu.dma_semaphore, #tpu.memory_space<semaphore_mem>>) src(%dma_wait3A_338 : memref<40x128xf32, #tpu.memory_space<vmem>>) dst(%dma_wait3A_344 : memref<10000x128xf32, #tpu.memory_space<vmem_shared>>)
        %add3A_345 = arith.constant 3 : i32
        %add3A_346 = arith.addi %scan3A_186, %add3A_345 : i32
        %lt3A_347 = arith.constant 125 : i32
        %lt3A_348 = arith.cmpi slt, %add3A_346, %lt3A_347 : i32
        %convert_element_type3A_349 = arith.extui %lt3A_348 : i1 to i32
        %cond3A_350 = arith.constant 0 : i32
        %cond3A_351 = arith.cmpi ne, %convert_element_type3A_349, %cond3A_350 : i32
        scf.if %cond3A_351 {
          %add3A_352 = arith.constant 3 : i32
          %add3A_353 = arith.addi %scan3A_186, %add3A_352 : i32
          %mul3A_354 = arith.constant 10000 : i32
          %mul3A_355 = arith.muli %add3A, %mul3A_354 : i32
          %mul3A_356 = arith.constant 80 : i32
          %mul3A_357 = arith.muli %add3A_353, %mul3A_356 : i32
          %add3A_358 = arith.addi %mul3A_355, %mul3A_357 : i32
          %add3A_359 = arith.constant 0 : i32
          %add3A_360 = arith.addi %add3A_358, %add3A_359 : i32
          %multiple_of3A_361 = tpu.assume_multiple %add3A_360, 8 : i32
          %dma_start3A_362 = arith.constant 0 : i32
          %dma_start3A_363 = arith.constant 0 : i32
          %dma_start3A_364 = tpu.memref_slice %arg9[%dma_start3A_362, %dma_start3A_363] : memref<16x40xi32, #tpu.memory_space<vmem>> -> memref<1x40xi32, #tpu.memory_space<vmem>>
          %dma_start3A_365 = tpu.memref_squeeze %dma_start3A_364 : memref<1x40xi32, #tpu.memory_space<vmem>> -> memref<40xi32, #tpu.memory_space<vmem>>
          %dma_start3A_366 = tpu.memref_slice %arg4[%multiple_of3A_361] : memref<320000xi32, #tpu.memory_space<hbm>> -> memref<40xi32, #tpu.memory_space<hbm>>
          %dma_start3A_367 = arith.constant 0 : i32
          %dma_start3A_368 = tpu.memref_slice %arg9[%dma_start3A_362, %dma_start3A_367] : memref<16x40xi32, #tpu.memory_space<vmem>> -> memref<1x40xi32, #tpu.memory_space<vmem>>
          %dma_start3A_369 = tpu.memref_squeeze %dma_start3A_368 : memref<1x40xi32, #tpu.memory_space<vmem>> -> memref<40xi32, #tpu.memory_space<vmem>>
          %dma_start3A_370 = tpu.memref_slice %arg4[%multiple_of3A_361] : memref<320000xi32, #tpu.memory_space<hbm>> -> memref<40xi32, #tpu.memory_space<hbm>>
          tpu.enqueue_dma source(%dma_start3A_370 : memref<40xi32, #tpu.memory_space<hbm>>) target(%dma_start3A_369 : memref<40xi32, #tpu.memory_space<vmem>>) target_semaphore(%arg18 : memref<!tpu.dma_semaphore, #tpu.memory_space<semaphore_mem>>)
          %mul3A_371 = arith.constant 10000 : i32
          %mul3A_372 = arith.muli %add3A, %mul3A_371 : i32
          %mul3A_373 = arith.constant 80 : i32
          %mul3A_374 = arith.muli %add3A_353, %mul3A_373 : i32
          %add3A_375 = arith.addi %mul3A_372, %mul3A_374 : i32
          %add3A_376 = arith.constant 40 : i32
          %add3A_377 = arith.addi %add3A_375, %add3A_376 : i32
          %multiple_of3A_378 = tpu.assume_multiple %add3A_377, 8 : i32
          %dma_start3A_379 = arith.constant 8 : i32
          %dma_start3A_380 = arith.constant 0 : i32
          %dma_start3A_381 = tpu.memref_slice %arg9[%dma_start3A_379, %dma_start3A_380] : memref<16x40xi32, #tpu.memory_space<vmem>> -> memref<1x40xi32, #tpu.memory_space<vmem>>
          %dma_start3A_382 = tpu.memref_squeeze %dma_start3A_381 : memref<1x40xi32, #tpu.memory_space<vmem>> -> memref<40xi32, #tpu.memory_space<vmem>>
          %dma_start3A_383 = tpu.memref_slice %arg4[%multiple_of3A_378] : memref<320000xi32, #tpu.memory_space<hbm>> -> memref<40xi32, #tpu.memory_space<hbm>>
          %dma_start3A_384 = arith.constant 0 : i32
          %dma_start3A_385 = tpu.memref_slice %arg9[%dma_start3A_379, %dma_start3A_384] : memref<16x40xi32, #tpu.memory_space<vmem>> -> memref<1x40xi32, #tpu.memory_space<vmem>>
          %dma_start3A_386 = tpu.memref_squeeze %dma_start3A_385 : memref<1x40xi32, #tpu.memory_space<vmem>> -> memref<40xi32, #tpu.memory_space<vmem>>
          %dma_start3A_387 = tpu.memref_slice %arg4[%multiple_of3A_378] : memref<320000xi32, #tpu.memory_space<hbm>> -> memref<40xi32, #tpu.memory_space<hbm>>
          tpu.enqueue_dma source(%dma_start3A_387 : memref<40xi32, #tpu.memory_space<hbm>>) target(%dma_start3A_386 : memref<40xi32, #tpu.memory_space<vmem>>) target_semaphore(%arg18 : memref<!tpu.dma_semaphore, #tpu.memory_space<semaphore_mem>>)
          %add3A_388 = arith.constant 3 : i32
          %add3A_389 = arith.addi %scan3A_186, %add3A_388 : i32
          %mul3A_390 = arith.constant 80 : i32
          %mul3A_391 = arith.muli %add3A_389, %mul3A_390 : i32
          %add3A_392 = arith.constant 0 : i32
          %add3A_393 = arith.addi %mul3A_391, %add3A_392 : i32
          %multiple_of3A_394 = tpu.assume_multiple %add3A_393, 8 : i32
          %dma_start3A_395 = arith.constant 0 : i32
          %dma_start3A_396 = arith.constant 0 : i32
          %dma_start3A_397 = tpu.memref_slice %arg12[%dma_start3A_395, %dma_start3A_396] : memref<80x128xf32, #tpu.memory_space<vmem>> -> memref<40x128xf32, #tpu.memory_space<vmem>>
          %dma_start3A_398 = tpu.memref_slice %arg7[%multiple_of3A_394] : memref<10000xi32, #tpu.memory_space<vmem>> -> memref<40xi32, #tpu.memory_space<vmem>>
          %dma_start3A_399 = arith.constant 0 : i32
          %dma_start3A_400 = arith.constant 0 : i32
          %dma_start3A_401 = tpu.memref_slice %arg2[%dma_start3A_399, %dma_start3A_400] : memref<10000x128xf32, #tpu.memory_space<hbm>> -> memref<10000x128xf32, #tpu.memory_space<hbm>>
          tpu.enqueue_indirect_dma source(%dma_start3A_401 : memref<10000x128xf32, #tpu.memory_space<hbm>>) target(%dma_start3A_397 : memref<40x128xf32, #tpu.memory_space<vmem>>) offsets(%dma_start3A_398 : memref<40xi32, #tpu.memory_space<vmem>>) semaphore(%arg15 : memref<!tpu.dma_semaphore, #tpu.memory_space<semaphore_mem>>)
          %mul3A_402 = arith.constant 80 : i32
          %mul3A_403 = arith.muli %add3A_389, %mul3A_402 : i32
          %add3A_404 = arith.constant 40 : i32
          %add3A_405 = arith.addi %mul3A_403, %add3A_404 : i32
          %multiple_of3A_406 = tpu.assume_multiple %add3A_405, 8 : i32
          %dma_start3A_407 = arith.constant 40 : i32
          %dma_start3A_408 = arith.constant 0 : i32
          %dma_start3A_409 = tpu.memref_slice %arg12[%dma_start3A_407, %dma_start3A_408] : memref<80x128xf32, #tpu.memory_space<vmem>> -> memref<40x128xf32, #tpu.memory_space<vmem>>
          %dma_start3A_410 = tpu.memref_slice %arg7[%multiple_of3A_406] : memref<10000xi32, #tpu.memory_space<vmem>> -> memref<40xi32, #tpu.memory_space<vmem>>
          %dma_start3A_411 = arith.constant 0 : i32
          %dma_start3A_412 = arith.constant 0 : i32
          %dma_start3A_413 = tpu.memref_slice %arg2[%dma_start3A_411, %dma_start3A_412] : memref<10000x128xf32, #tpu.memory_space<hbm>> -> memref<10000x128xf32, #tpu.memory_space<hbm>>
          tpu.enqueue_indirect_dma source(%dma_start3A_413 : memref<10000x128xf32, #tpu.memory_space<hbm>>) target(%dma_start3A_409 : memref<40x128xf32, #tpu.memory_space<vmem>>) offsets(%dma_start3A_410 : memref<40xi32, #tpu.memory_space<vmem>>) semaphore(%arg15 : memref<!tpu.dma_semaphore, #tpu.memory_space<semaphore_mem>>)
        } else {
        }
      } else {
      }
      %jit3A_226 = arith.constant 3 : i32
      %eq3A_227 = arith.constant 0 : i32
      %eq3A_228 = arith.cmpi eq, %jit3A_226, %eq3A_227 : i32
      %jit3A_229 = arith.constant 1 : i32
      %select_n3A_230 = arith.select %eq3A_228, %jit3A_229, %jit3A_226 : i32
      %rem3A_231 = arith.remsi %scan3A_186, %select_n3A_230 : i32
      %ne3A_232 = arith.constant 0 : i32
      %ne3A_233 = arith.cmpi ne, %rem3A_231, %ne3A_232 : i32
      %lt3A_234 = arith.constant 0 : i32
      %lt3A_235 = arith.cmpi slt, %rem3A_231, %lt3A_234 : i32
      %lt3A_236 = arith.constant 0 : i32
      %lt3A_237 = arith.cmpi slt, %select_n3A_230, %lt3A_236 : i32
      %ne3A_238 = arith.xori %lt3A_235, %lt3A_237 : i1
      %and3A_239 = arith.andi %ne3A_238, %ne3A_233 : i1
      %add3A_240 = arith.addi %rem3A_231, %select_n3A_230 : i32
      %select_n3A_241 = arith.select %and3A_239, %add3A_240, %rem3A_231 : i32
      %eq3A_242 = arith.constant 2 : i32
      %eq3A_243 = arith.cmpi eq, %select_n3A_241, %eq3A_242 : i32
      %convert_element_type3A_244 = arith.extui %eq3A_243 : i1 to i32
      %cond3A_245 = arith.constant 0 : i32
      %cond3A_246 = arith.cmpi ne, %convert_element_type3A_244, %cond3A_245 : i32
      scf.if %cond3A_246 {
        %mul3A_247 = arith.constant 10000 : i32
        %mul3A_248 = arith.muli %add3A, %mul3A_247 : i32
        %mul3A_249 = arith.constant 80 : i32
        %mul3A_250 = arith.muli %scan3A_186, %mul3A_249 : i32
        %add3A_251 = arith.addi %mul3A_248, %mul3A_250 : i32
        %add3A_252 = arith.constant 0 : i32
        %add3A_253 = arith.addi %add3A_251, %add3A_252 : i32
        %multiple_of3A_254 = tpu.assume_multiple %add3A_253, 8 : i32
        %dma_wait3A_255 = arith.constant 0 : i32
        %dma_wait3A_256 = arith.constant 0 : i32
        %dma_wait3A_257 = tpu.memref_slice %arg10[%dma_wait3A_255, %dma_wait3A_256] : memref<16x40xi32, #tpu.memory_space<vmem>> -> memref<1x40xi32, #tpu.memory_space<vmem>>
        %dma_wait3A_258 = tpu.memref_squeeze %dma_wait3A_257 : memref<1x40xi32, #tpu.memory_space<vmem>> -> memref<40xi32, #tpu.memory_space<vmem>>
        %dma_wait3A_259 = tpu.memref_slice %arg4[%multiple_of3A_254] : memref<320000xi32, #tpu.memory_space<hbm>> -> memref<40xi32, #tpu.memory_space<hbm>>
        %dma_wait3A_260 = arith.constant 0 : i32
        %dma_wait3A_261 = tpu.memref_slice %arg10[%dma_wait3A_255, %dma_wait3A_260] : memref<16x40xi32, #tpu.memory_space<vmem>> -> memref<1x40xi32, #tpu.memory_space<vmem>>
        %dma_wait3A_262 = tpu.memref_squeeze %dma_wait3A_261 : memref<1x40xi32, #tpu.memory_space<vmem>> -> memref<40xi32, #tpu.memory_space<vmem>>
        %dma_wait3A_263 = tpu.memref_slice %arg4[%multiple_of3A_254] : memref<320000xi32, #tpu.memory_space<hbm>> -> memref<40xi32, #tpu.memory_space<hbm>>
        tpu.wait_dma2 semaphore(%arg19 : memref<!tpu.dma_semaphore, #tpu.memory_space<semaphore_mem>>) src(%dma_wait3A_263 : memref<40xi32, #tpu.memory_space<hbm>>) dst(%dma_wait3A_262 : memref<40xi32, #tpu.memory_space<vmem>>)
        %mul3A_264 = arith.constant 10000 : i32
        %mul3A_265 = arith.muli %add3A, %mul3A_264 : i32
        %mul3A_266 = arith.constant 80 : i32
        %mul3A_267 = arith.muli %scan3A_186, %mul3A_266 : i32
        %add3A_268 = arith.addi %mul3A_265, %mul3A_267 : i32
        %add3A_269 = arith.constant 40 : i32
        %add3A_270 = arith.addi %add3A_268, %add3A_269 : i32
        %multiple_of3A_271 = tpu.assume_multiple %add3A_270, 8 : i32
        %dma_wait3A_272 = arith.constant 8 : i32
        %dma_wait3A_273 = arith.constant 0 : i32
        %dma_wait3A_274 = tpu.memref_slice %arg10[%dma_wait3A_272, %dma_wait3A_273] : memref<16x40xi32, #tpu.memory_space<vmem>> -> memref<1x40xi32, #tpu.memory_space<vmem>>
        %dma_wait3A_275 = tpu.memref_squeeze %dma_wait3A_274 : memref<1x40xi32, #tpu.memory_space<vmem>> -> memref<40xi32, #tpu.memory_space<vmem>>
        %dma_wait3A_276 = tpu.memref_slice %arg4[%multiple_of3A_271] : memref<320000xi32, #tpu.memory_space<hbm>> -> memref<40xi32, #tpu.memory_space<hbm>>
        %dma_wait3A_277 = arith.constant 0 : i32
        %dma_wait3A_278 = tpu.memref_slice %arg10[%dma_wait3A_272, %dma_wait3A_277] : memref<16x40xi32, #tpu.memory_space<vmem>> -> memref<1x40xi32, #tpu.memory_space<vmem>>
        %dma_wait3A_279 = tpu.memref_squeeze %dma_wait3A_278 : memref<1x40xi32, #tpu.memory_space<vmem>> -> memref<40xi32, #tpu.memory_space<vmem>>
        %dma_wait3A_280 = tpu.memref_slice %arg4[%multiple_of3A_271] : memref<320000xi32, #tpu.memory_space<hbm>> -> memref<40xi32, #tpu.memory_space<hbm>>
        tpu.wait_dma2 semaphore(%arg19 : memref<!tpu.dma_semaphore, #tpu.memory_space<semaphore_mem>>) src(%dma_wait3A_280 : memref<40xi32, #tpu.memory_space<hbm>>) dst(%dma_wait3A_279 : memref<40xi32, #tpu.memory_space<vmem>>)
        %mul3A_281 = arith.constant 80 : i32
        %mul3A_282 = arith.muli %scan3A_186, %mul3A_281 : i32
        %add3A_283 = arith.constant 0 : i32
        %add3A_284 = arith.addi %mul3A_282, %add3A_283 : i32
        %multiple_of3A_285 = tpu.assume_multiple %add3A_284, 8 : i32
        %dma_wait3A_286 = arith.constant 0 : i32
        %dma_wait3A_287 = arith.constant 0 : i32
        %dma_wait3A_288 = tpu.memref_slice %arg13[%dma_wait3A_286, %dma_wait3A_287] : memref<80x128xf32, #tpu.memory_space<vmem>> -> memref<40x128xf32, #tpu.memory_space<vmem>>
        %dma_wait3A_289 = tpu.memref_slice %arg7[%multiple_of3A_285] : memref<10000xi32, #tpu.memory_space<vmem>> -> memref<40xi32, #tpu.memory_space<vmem>>
        %dma_wait3A_290 = arith.constant 0 : i32
        %dma_wait3A_291 = arith.constant 0 : i32
        %dma_wait3A_292 = tpu.memref_slice %arg2[%dma_wait3A_290, %dma_wait3A_291] : memref<10000x128xf32, #tpu.memory_space<hbm>> -> memref<10000x128xf32, #tpu.memory_space<hbm>>
        tpu.wait_indirect_dma semaphore(%arg16 : memref<!tpu.dma_semaphore, #tpu.memory_space<semaphore_mem>>) src(%dma_wait3A_292 : memref<10000x128xf32, #tpu.memory_space<hbm>>) dst(%dma_wait3A_288 : memref<40x128xf32, #tpu.memory_space<vmem>>)
        %mul3A_293 = arith.constant 80 : i32
        %mul3A_294 = arith.muli %scan3A_186, %mul3A_293 : i32
        %add3A_295 = arith.constant 40 : i32
        %add3A_296 = arith.addi %mul3A_294, %add3A_295 : i32
        %multiple_of3A_297 = tpu.assume_multiple %add3A_296, 8 : i32
        %dma_wait3A_298 = arith.constant 40 : i32
        %dma_wait3A_299 = arith.constant 0 : i32
        %dma_wait3A_300 = tpu.memref_slice %arg13[%dma_wait3A_298, %dma_wait3A_299] : memref<80x128xf32, #tpu.memory_space<vmem>> -> memref<40x128xf32, #tpu.memory_space<vmem>>
        %dma_wait3A_301 = tpu.memref_slice %arg7[%multiple_of3A_297] : memref<10000xi32, #tpu.memory_space<vmem>> -> memref<40xi32, #tpu.memory_space<vmem>>
        %dma_wait3A_302 = arith.constant 0 : i32
        %dma_wait3A_303 = arith.constant 0 : i32
        %dma_wait3A_304 = tpu.memref_slice %arg2[%dma_wait3A_302, %dma_wait3A_303] : memref<10000x128xf32, #tpu.memory_space<hbm>> -> memref<10000x128xf32, #tpu.memory_space<hbm>>
        tpu.wait_indirect_dma semaphore(%arg16 : memref<!tpu.dma_semaphore, #tpu.memory_space<semaphore_mem>>) src(%dma_wait3A_304 : memref<10000x128xf32, #tpu.memory_space<hbm>>) dst(%dma_wait3A_300 : memref<40x128xf32, #tpu.memory_space<vmem>>)
        %dma_start3A_305 = arith.constant 0 : i32
        %dma_start3A_306 = arith.constant 0 : i32
        %dma_start3A_307 = arith.constant 0 : i32
        %dma_start3A_308 = tpu.memref_slice %arg13[%dma_start3A_306, %dma_start3A_307] : memref<80x128xf32, #tpu.memory_space<vmem>> -> memref<40x128xf32, #tpu.memory_space<vmem>>
        %dma_start3A_309 = arith.constant 0 : i32
        %dma_start3A_310 = tpu.memref_slice %arg10[%dma_start3A_305, %dma_start3A_309] : memref<16x40xi32, #tpu.memory_space<vmem>> -> memref<1x40xi32, #tpu.memory_space<vmem>>
        %dma_start3A_311 = tpu.memref_squeeze %dma_start3A_310 : memref<1x40xi32, #tpu.memory_space<vmem>> -> memref<40xi32, #tpu.memory_space<vmem>>
        %dma_start3A_312 = arith.constant 0 : i32
        %dma_start3A_313 = arith.constant 0 : i32
        %dma_start3A_314 = tpu.memref_slice %arg6[%dma_start3A_312, %dma_start3A_313] : memref<10000x128xf32, #tpu.memory_space<vmem_shared>> -> memref<10000x128xf32, #tpu.memory_space<vmem_shared>>
        tpu.enqueue_indirect_dma source(%dma_start3A_308 : memref<40x128xf32, #tpu.memory_space<vmem>>) target(%dma_start3A_314 : memref<10000x128xf32, #tpu.memory_space<vmem_shared>>) offsets(%dma_start3A_311 : memref<40xi32, #tpu.memory_space<vmem>>) semaphore(%arg22 : memref<!tpu.dma_semaphore, #tpu.memory_space<semaphore_mem>>) {add = true}
        %dma_start3A_315 = arith.constant 8 : i32
        %dma_start3A_316 = arith.constant 40 : i32
        %dma_start3A_317 = arith.constant 0 : i32
        %dma_start3A_318 = tpu.memref_slice %arg13[%dma_start3A_316, %dma_start3A_317] : memref<80x128xf32, #tpu.memory_space<vmem>> -> memref<40x128xf32, #tpu.memory_space<vmem>>
        %dma_start3A_319 = arith.constant 0 : i32
        %dma_start3A_320 = tpu.memref_slice %arg10[%dma_start3A_315, %dma_start3A_319] : memref<16x40xi32, #tpu.memory_space<vmem>> -> memref<1x40xi32, #tpu.memory_space<vmem>>
        %dma_start3A_321 = tpu.memref_squeeze %dma_start3A_320 : memref<1x40xi32, #tpu.memory_space<vmem>> -> memref<40xi32, #tpu.memory_space<vmem>>
        %dma_start3A_322 = arith.constant 0 : i32
        %dma_start3A_323 = arith.constant 0 : i32
        %dma_start3A_324 = tpu.memref_slice %arg6[%dma_start3A_322, %dma_start3A_323] : memref<10000x128xf32, #tpu.memory_space<vmem_shared>> -> memref<10000x128xf32, #tpu.memory_space<vmem_shared>>
        tpu.enqueue_indirect_dma source(%dma_start3A_318 : memref<40x128xf32, #tpu.memory_space<vmem>>) target(%dma_start3A_324 : memref<10000x128xf32, #tpu.memory_space<vmem_shared>>) offsets(%dma_start3A_321 : memref<40xi32, #tpu.memory_space<vmem>>) semaphore(%arg22 : memref<!tpu.dma_semaphore, #tpu.memory_space<semaphore_mem>>) {add = true}
        %dma_wait3A_325 = arith.constant 0 : i32
        %dma_wait3A_326 = arith.constant 0 : i32
        %dma_wait3A_327 = arith.constant 0 : i32
        %dma_wait3A_328 = tpu.memref_slice %arg13[%dma_wait3A_326, %dma_wait3A_327] : memref<80x128xf32, #tpu.memory_space<vmem>> -> memref<40x128xf32, #tpu.memory_space<vmem>>
        %dma_wait3A_329 = arith.constant 0 : i32
        %dma_wait3A_330 = tpu.memref_slice %arg10[%dma_wait3A_325, %dma_wait3A_329] : memref<16x40xi32, #tpu.memory_space<vmem>> -> memref<1x40xi32, #tpu.memory_space<vmem>>
        %dma_wait3A_331 = tpu.memref_squeeze %dma_wait3A_330 : memref<1x40xi32, #tpu.memory_space<vmem>> -> memref<40xi32, #tpu.memory_space<vmem>>
        %dma_wait3A_332 = arith.constant 0 : i32
        %dma_wait3A_333 = arith.constant 0 : i32
        %dma_wait3A_334 = tpu.memref_slice %arg6[%dma_wait3A_332, %dma_wait3A_333] : memref<10000x128xf32, #tpu.memory_space<vmem_shared>> -> memref<10000x128xf32, #tpu.memory_space<vmem_shared>>
        tpu.wait_indirect_dma semaphore(%arg22 : memref<!tpu.dma_semaphore, #tpu.memory_space<semaphore_mem>>) src(%dma_wait3A_328 : memref<40x128xf32, #tpu.memory_space<vmem>>) dst(%dma_wait3A_334 : memref<10000x128xf32, #tpu.memory_space<vmem_shared>>)
        %dma_wait3A_335 = arith.constant 8 : i32
        %dma_wait3A_336 = arith.constant 40 : i32
        %dma_wait3A_337 = arith.constant 0 : i32
        %dma_wait3A_338 = tpu.memref_slice %arg13[%dma_wait3A_336, %dma_wait3A_337] : memref<80x128xf32, #tpu.memory_space<vmem>> -> memref<40x128xf32, #tpu.memory_space<vmem>>
        %dma_wait3A_339 = arith.constant 0 : i32
        %dma_wait3A_340 = tpu.memref_slice %arg10[%dma_wait3A_335, %dma_wait3A_339] : memref<16x40xi32, #tpu.memory_space<vmem>> -> memref<1x40xi32, #tpu.memory_space<vmem>>
        %dma_wait3A_341 = tpu.memref_squeeze %dma_wait3A_340 : memref<1x40xi32, #tpu.memory_space<vmem>> -> memref<40xi32, #tpu.memory_space<vmem>>
        %dma_wait3A_342 = arith.constant 0 : i32
        %dma_wait3A_343 = arith.constant 0 : i32
        %dma_wait3A_344 = tpu.memref_slice %arg6[%dma_wait3A_342, %dma_wait3A_343] : memref<10000x128xf32, #tpu.memory_space<vmem_shared>> -> memref<10000x128xf32, #tpu.memory_space<vmem_shared>>
        tpu.wait_indirect_dma semaphore(%arg22 : memref<!tpu.dma_semaphore, #tpu.memory_space<semaphore_mem>>) src(%dma_wait3A_338 : memref<40x128xf32, #tpu.memory_space<vmem>>) dst(%dma_wait3A_344 : memref<10000x128xf32, #tpu.memory_space<vmem_shared>>)
        %add3A_345 = arith.constant 3 : i32
        %add3A_346 = arith.addi %scan3A_186, %add3A_345 : i32
        %lt3A_347 = arith.constant 125 : i32
        %lt3A_348 = arith.cmpi slt, %add3A_346, %lt3A_347 : i32
        %convert_element_type3A_349 = arith.extui %lt3A_348 : i1 to i32
        %cond3A_350 = arith.constant 0 : i32
        %cond3A_351 = arith.cmpi ne, %convert_element_type3A_349, %cond3A_350 : i32
        scf.if %cond3A_351 {
          %add3A_352 = arith.constant 3 : i32
          %add3A_353 = arith.addi %scan3A_186, %add3A_352 : i32
          %mul3A_354 = arith.constant 10000 : i32
          %mul3A_355 = arith.muli %add3A, %mul3A_354 : i32
          %mul3A_356 = arith.constant 80 : i32
          %mul3A_357 = arith.muli %add3A_353, %mul3A_356 : i32
          %add3A_358 = arith.addi %mul3A_355, %mul3A_357 : i32
          %add3A_359 = arith.constant 0 : i32
          %add3A_360 = arith.addi %add3A_358, %add3A_359 : i32
          %multiple_of3A_361 = tpu.assume_multiple %add3A_360, 8 : i32
          %dma_start3A_362 = arith.constant 0 : i32
          %dma_start3A_363 = arith.constant 0 : i32
          %dma_start3A_364 = tpu.memref_slice %arg10[%dma_start3A_362, %dma_start3A_363] : memref<16x40xi32, #tpu.memory_space<vmem>> -> memref<1x40xi32, #tpu.memory_space<vmem>>
          %dma_start3A_365 = tpu.memref_squeeze %dma_start3A_364 : memref<1x40xi32, #tpu.memory_space<vmem>> -> memref<40xi32, #tpu.memory_space<vmem>>
          %dma_start3A_366 = tpu.memref_slice %arg4[%multiple_of3A_361] : memref<320000xi32, #tpu.memory_space<hbm>> -> memref<40xi32, #tpu.memory_space<hbm>>
          %dma_start3A_367 = arith.constant 0 : i32
          %dma_start3A_368 = tpu.memref_slice %arg10[%dma_start3A_362, %dma_start3A_367] : memref<16x40xi32, #tpu.memory_space<vmem>> -> memref<1x40xi32, #tpu.memory_space<vmem>>
          %dma_start3A_369 = tpu.memref_squeeze %dma_start3A_368 : memref<1x40xi32, #tpu.memory_space<vmem>> -> memref<40xi32, #tpu.memory_space<vmem>>
          %dma_start3A_370 = tpu.memref_slice %arg4[%multiple_of3A_361] : memref<320000xi32, #tpu.memory_space<hbm>> -> memref<40xi32, #tpu.memory_space<hbm>>
          tpu.enqueue_dma source(%dma_start3A_370 : memref<40xi32, #tpu.memory_space<hbm>>) target(%dma_start3A_369 : memref<40xi32, #tpu.memory_space<vmem>>) target_semaphore(%arg19 : memref<!tpu.dma_semaphore, #tpu.memory_space<semaphore_mem>>)
          %mul3A_371 = arith.constant 10000 : i32
          %mul3A_372 = arith.muli %add3A, %mul3A_371 : i32
          %mul3A_373 = arith.constant 80 : i32
          %mul3A_374 = arith.muli %add3A_353, %mul3A_373 : i32
          %add3A_375 = arith.addi %mul3A_372, %mul3A_374 : i32
          %add3A_376 = arith.constant 40 : i32
          %add3A_377 = arith.addi %add3A_375, %add3A_376 : i32
          %multiple_of3A_378 = tpu.assume_multiple %add3A_377, 8 : i32
          %dma_start3A_379 = arith.constant 8 : i32
          %dma_start3A_380 = arith.constant 0 : i32
          %dma_start3A_381 = tpu.memref_slice %arg10[%dma_start3A_379, %dma_start3A_380] : memref<16x40xi32, #tpu.memory_space<vmem>> -> memref<1x40xi32, #tpu.memory_space<vmem>>
          %dma_start3A_382 = tpu.memref_squeeze %dma_start3A_381 : memref<1x40xi32, #tpu.memory_space<vmem>> -> memref<40xi32, #tpu.memory_space<vmem>>
          %dma_start3A_383 = tpu.memref_slice %arg4[%multiple_of3A_378] : memref<320000xi32, #tpu.memory_space<hbm>> -> memref<40xi32, #tpu.memory_space<hbm>>
          %dma_start3A_384 = arith.constant 0 : i32
          %dma_start3A_385 = tpu.memref_slice %arg10[%dma_start3A_379, %dma_start3A_384] : memref<16x40xi32, #tpu.memory_space<vmem>> -> memref<1x40xi32, #tpu.memory_space<vmem>>
          %dma_start3A_386 = tpu.memref_squeeze %dma_start3A_385 : memref<1x40xi32, #tpu.memory_space<vmem>> -> memref<40xi32, #tpu.memory_space<vmem>>
          %dma_start3A_387 = tpu.memref_slice %arg4[%multiple_of3A_378] : memref<320000xi32, #tpu.memory_space<hbm>> -> memref<40xi32, #tpu.memory_space<hbm>>
          tpu.enqueue_dma source(%dma_start3A_387 : memref<40xi32, #tpu.memory_space<hbm>>) target(%dma_start3A_386 : memref<40xi32, #tpu.memory_space<vmem>>) target_semaphore(%arg19 : memref<!tpu.dma_semaphore, #tpu.memory_space<semaphore_mem>>)
          %add3A_388 = arith.constant 3 : i32
          %add3A_389 = arith.addi %scan3A_186, %add3A_388 : i32
          %mul3A_390 = arith.constant 80 : i32
          %mul3A_391 = arith.muli %add3A_389, %mul3A_390 : i32
          %add3A_392 = arith.constant 0 : i32
          %add3A_393 = arith.addi %mul3A_391, %add3A_392 : i32
          %multiple_of3A_394 = tpu.assume_multiple %add3A_393, 8 : i32
          %dma_start3A_395 = arith.constant 0 : i32
          %dma_start3A_396 = arith.constant 0 : i32
          %dma_start3A_397 = tpu.memref_slice %arg13[%dma_start3A_395, %dma_start3A_396] : memref<80x128xf32, #tpu.memory_space<vmem>> -> memref<40x128xf32, #tpu.memory_space<vmem>>
          %dma_start3A_398 = tpu.memref_slice %arg7[%multiple_of3A_394] : memref<10000xi32, #tpu.memory_space<vmem>> -> memref<40xi32, #tpu.memory_space<vmem>>
          %dma_start3A_399 = arith.constant 0 : i32
          %dma_start3A_400 = arith.constant 0 : i32
          %dma_start3A_401 = tpu.memref_slice %arg2[%dma_start3A_399, %dma_start3A_400] : memref<10000x128xf32, #tpu.memory_space<hbm>> -> memref<10000x128xf32, #tpu.memory_space<hbm>>
          tpu.enqueue_indirect_dma source(%dma_start3A_401 : memref<10000x128xf32, #tpu.memory_space<hbm>>) target(%dma_start3A_397 : memref<40x128xf32, #tpu.memory_space<vmem>>) offsets(%dma_start3A_398 : memref<40xi32, #tpu.memory_space<vmem>>) semaphore(%arg16 : memref<!tpu.dma_semaphore, #tpu.memory_space<semaphore_mem>>)
          %mul3A_402 = arith.constant 80 : i32
          %mul3A_403 = arith.muli %add3A_389, %mul3A_402 : i32
          %add3A_404 = arith.constant 40 : i32
          %add3A_405 = arith.addi %mul3A_403, %add3A_404 : i32
          %multiple_of3A_406 = tpu.assume_multiple %add3A_405, 8 : i32
          %dma_start3A_407 = arith.constant 40 : i32
          %dma_start3A_408 = arith.constant 0 : i32
          %dma_start3A_409 = tpu.memref_slice %arg13[%dma_start3A_407, %dma_start3A_408] : memref<80x128xf32, #tpu.memory_space<vmem>> -> memref<40x128xf32, #tpu.memory_space<vmem>>
          %dma_start3A_410 = tpu.memref_slice %arg7[%multiple_of3A_406] : memref<10000xi32, #tpu.memory_space<vmem>> -> memref<40xi32, #tpu.memory_space<vmem>>
          %dma_start3A_411 = arith.constant 0 : i32
          %dma_start3A_412 = arith.constant 0 : i32
          %dma_start3A_413 = tpu.memref_slice %arg2[%dma_start3A_411, %dma_start3A_412] : memref<10000x128xf32, #tpu.memory_space<hbm>> -> memref<10000x128xf32, #tpu.memory_space<hbm>>
          tpu.enqueue_indirect_dma source(%dma_start3A_413 : memref<10000x128xf32, #tpu.memory_space<hbm>>) target(%dma_start3A_409 : memref<40x128xf32, #tpu.memory_space<vmem>>) offsets(%dma_start3A_410 : memref<40xi32, #tpu.memory_space<vmem>>) semaphore(%arg16 : memref<!tpu.dma_semaphore, #tpu.memory_space<semaphore_mem>>)
        } else {
        }
      } else {
      }
    }
    %scan3A_177 = arith.constant 125 : i32
    %barrier3A_178 = arith.constant 0 : index
    tpu.barrier barrier_id(%barrier3A_178)
    %lt3A_179 = arith.constant 15 : i32
    %lt3A_180 = arith.cmpi slt, %arg1, %lt3A_179 : i32
    %convert_element_type3A = arith.extui %lt3A_180 : i1 to i32
    %cond3A = arith.constant 0 : i32
    %cond3A_181 = arith.cmpi ne, %convert_element_type3A, %cond3A : i32
    scf.if %cond3A_181 {
      %mul3A_186 = arith.constant 640 : i32
      %mul3A_187 = arith.muli %arg1, %mul3A_186 : i32
      %mul3A_188 = arith.constant 640 : i32
      %mul3A_189 = arith.muli %arg1, %mul3A_188 : i32
      "tpu.region"() ({
        %run_scoped3A = tpu.sem_alloc : memref<!tpu.dma_semaphore, #tpu.memory_space<semaphore_mem>>
        %dma_start3A_190 = arith.constant 0 : i32
        %dma_start3A_191 = tpu.memref_slice %arg5[%arg0, %mul3A_189, %dma_start3A_190] : memref<2x10000x128xf32, #tpu.memory_space<hbm>> -> memref<1x640x128xf32, #tpu.memory_space<hbm>>
        %dma_start3A_192 = tpu.memref_squeeze %dma_start3A_191 : memref<1x640x128xf32, #tpu.memory_space<hbm>> -> memref<640x128xf32, #tpu.memory_space<hbm>>
        %dma_start3A_193 = arith.constant 0 : i32
        %dma_start3A_194 = tpu.memref_slice %arg6[%mul3A_187, %dma_start3A_193] : memref<10000x128xf32, #tpu.memory_space<vmem_shared>> -> memref<640x128xf32, #tpu.memory_space<vmem_shared>>
        tpu.enqueue_dma source(%dma_start3A_194 : memref<640x128xf32, #tpu.memory_space<vmem_shared>>) target(%dma_start3A_192 : memref<640x128xf32, #tpu.memory_space<hbm>>) target_semaphore(%run_scoped3A : memref<!tpu.dma_semaphore, #tpu.memory_space<semaphore_mem>>)
        %dma_wait3A_195 = arith.constant 0 : i32
        %dma_wait3A_196 = tpu.memref_slice %arg5[%arg0, %mul3A_189, %dma_wait3A_195] : memref<2x10000x128xf32, #tpu.memory_space<hbm>> -> memref<1x640x128xf32, #tpu.memory_space<hbm>>
        %dma_wait3A_197 = tpu.memref_squeeze %dma_wait3A_196 : memref<1x640x128xf32, #tpu.memory_space<hbm>> -> memref<640x128xf32, #tpu.memory_space<hbm>>
        %dma_wait3A_198 = arith.constant 0 : i32
        %dma_wait3A_199 = tpu.memref_slice %arg6[%mul3A_187, %dma_wait3A_198] : memref<10000x128xf32, #tpu.memory_space<vmem_shared>> -> memref<640x128xf32, #tpu.memory_space<vmem_shared>>
        tpu.wait_dma2 semaphore(%run_scoped3A : memref<!tpu.dma_semaphore, #tpu.memory_space<semaphore_mem>>) src(%dma_wait3A_199 : memref<640x128xf32, #tpu.memory_space<vmem_shared>>) dst(%dma_wait3A_197 : memref<640x128xf32, #tpu.memory_space<hbm>>)
        tpu.yield
      }) : () -> ()
    } else {
    }
    %eq3A = arith.constant 15 : i32
    %eq3A_182 = arith.cmpi eq, %arg1, %eq3A : i32
    %convert_element_type3A_183 = arith.extui %eq3A_182 : i1 to i32
    %cond3A_184 = arith.constant 0 : i32
    %cond3A_185 = arith.cmpi ne, %convert_element_type3A_183, %cond3A_184 : i32
    scf.if %cond3A_185 {
      "tpu.region"() ({
        %run_scoped3A = tpu.sem_alloc : memref<!tpu.dma_semaphore, #tpu.memory_space<semaphore_mem>>
        %dma_start3A_186 = arith.constant 9600 : i32
        %dma_start3A_187 = arith.constant 0 : i32
        %dma_start3A_188 = tpu.memref_slice %arg5[%arg0, %dma_start3A_186, %dma_start3A_187] : memref<2x10000x128xf32, #tpu.memory_space<hbm>> -> memref<1x400x128xf32, #tpu.memory_space<hbm>>
        %dma_start3A_189 = tpu.memref_squeeze %dma_start3A_188 : memref<1x400x128xf32, #tpu.memory_space<hbm>> -> memref<400x128xf32, #tpu.memory_space<hbm>>
        %dma_start3A_190 = arith.constant 9600 : i32
        %dma_start3A_191 = arith.constant 0 : i32
        %dma_start3A_192 = tpu.memref_slice %arg6[%dma_start3A_190, %dma_start3A_191] : memref<10000x128xf32, #tpu.memory_space<vmem_shared>> -> memref<400x128xf32, #tpu.memory_space<vmem_shared>>
        tpu.enqueue_dma source(%dma_start3A_192 : memref<400x128xf32, #tpu.memory_space<vmem_shared>>) target(%dma_start3A_189 : memref<400x128xf32, #tpu.memory_space<hbm>>) target_semaphore(%run_scoped3A : memref<!tpu.dma_semaphore, #tpu.memory_space<semaphore_mem>>)
        %dma_wait3A_193 = arith.constant 9600 : i32
        %dma_wait3A_194 = arith.constant 0 : i32
        %dma_wait3A_195 = tpu.memref_slice %arg5[%arg0, %dma_wait3A_193, %dma_wait3A_194] : memref<2x10000x128xf32, #tpu.memory_space<hbm>> -> memref<1x400x128xf32, #tpu.memory_space<hbm>>
        %dma_wait3A_196 = tpu.memref_squeeze %dma_wait3A_195 : memref<1x400x128xf32, #tpu.memory_space<hbm>> -> memref<400x128xf32, #tpu.memory_space<hbm>>
        %dma_wait3A_197 = arith.constant 9600 : i32
        %dma_wait3A_198 = arith.constant 0 : i32
        %dma_wait3A_199 = tpu.memref_slice %arg6[%dma_wait3A_197, %dma_wait3A_198] : memref<10000x128xf32, #tpu.memory_space<vmem_shared>> -> memref<400x128xf32, #tpu.memory_space<vmem_shared>>
        tpu.wait_dma2 semaphore(%run_scoped3A : memref<!tpu.dma_semaphore, #tpu.memory_space<semaphore_mem>>) src(%dma_wait3A_199 : memref<400x128xf32, #tpu.memory_space<vmem_shared>>) dst(%dma_wait3A_196 : memref<400x128xf32, #tpu.memory_space<hbm>>)
        tpu.yield
      }) : () -> ()
    } else {
    }
    return
  }
}

module attributes {stable_mosaic.version = 14 : i64} {
  func.func @_combine_body(%arg0: i32, %arg1: memref<5000x128xf32, #tpu.memory_space<vmem>>, %arg2: memref<128x128xf32, #tpu.memory_space<vmem>>, %arg3: memref<2x5000x128xf32, #tpu.memory_space<vmem>>, %arg4: memref<5000x128xf32, #tpu.memory_space<vmem>>) attributes {dimension_semantics = [#tpu.dimension_semantics<arbitrary>], iteration_bounds = array<i64: 2>, scalar_prefetch = 0 : i64, scratch_operands = 0 : i64, tpu.core_type = #tpu.core_type<tc>, window_params = [{transform_indices = @transform_0, window_bounds = array<i64: 5000, 128>}, {pipeline_mode = #tpu.pipeline_mode<synchronous>, transform_indices = @transform_1, window_bounds = array<i64: 128, 128>}, {transform_indices = @transform_2, window_bounds = array<i64: 2, 5000, 128>}, {transform_indices = @transform_3, window_bounds = array<i64: 5000, 128>}]} {
    %get3A = arith.constant 0 : index
    %get3A_0 = arith.constant 0 : index
    %get3A_1 = arith.constant 0 : index
    %get3A_2 = vector.load %arg3[%get3A, %get3A_0, %get3A_1] : memref<2x5000x128xf32, #tpu.memory_space<vmem>>, vector<1x5000x128xf32>
    %get3A_3 = vector.shape_cast %get3A_2 : vector<1x5000x128xf32> to vector<5000x128xf32>
    %get3A_4 = arith.constant 1 : index
    %get3A_5 = arith.constant 0 : index
    %get3A_6 = arith.constant 0 : index
    %get3A_7 = vector.load %arg3[%get3A_4, %get3A_5, %get3A_6] : memref<2x5000x128xf32, #tpu.memory_space<vmem>>, vector<1x5000x128xf32>
    %get3A_8 = vector.shape_cast %get3A_7 : vector<1x5000x128xf32> to vector<5000x128xf32>
    %add3A = arith.addf %get3A_3, %get3A_8 : vector<5000x128xf32>
    %get3A_9 = arith.constant 0 : index
    %get3A_10 = arith.constant 0 : index
    %get3A_11 = vector.load %arg1[%get3A_9, %get3A_10] : memref<5000x128xf32, #tpu.memory_space<vmem>>, vector<5000x128xf32>
    %get3A_12 = arith.constant 0 : index
    %get3A_13 = arith.constant 0 : index
    %get3A_14 = vector.load %arg2[%get3A_12, %get3A_13] : memref<128x128xf32, #tpu.memory_space<vmem>>, vector<128x128xf32>
    %dot_general3A = arith.constant dense<0.000000e+00> : vector<5000x128xf32>
    %dot_general3A_15 = tpu.matmul %get3A_11, %get3A_14, %dot_general3A {dimension_numbers = #tpu.dot_dimension_numbers<[1], [0], [0], [1], [0, 0, 1, 1], [], []>, transpose_lhs_hint = false} : vector<5000x128xf32>, vector<128x128xf32>, vector<5000x128xf32> -> vector<5000x128xf32>
    %add3A_16 = arith.addf %add3A, %dot_general3A_15 : vector<5000x128xf32>
    %reduce_sum3A = arith.constant dense<0.000000e+00> : vector<5000xf32>
    %reduce_sum3A_17 = vector.multi_reduction <add>, %add3A_16, %reduce_sum3A [1] : vector<5000x128xf32> to vector<5000xf32>
    %broadcast_in_dim3A = vector.shape_cast %reduce_sum3A_17 : vector<5000xf32> to vector<5000x1xf32>
    %div3A = arith.constant 1.280000e+02 : f32
    %div3A_18 = vector.broadcast %div3A : f32 to vector<5000x1xf32>
    %div3A_19 = arith.divf %broadcast_in_dim3A, %div3A_18 : vector<5000x1xf32>
    %sub3A = vector.broadcast %div3A_19 : vector<5000x1xf32> to vector<5000x128xf32>
    %sub3A_20 = arith.subf %add3A_16, %sub3A : vector<5000x128xf32>
    %integer_pow3A = arith.mulf %sub3A_20, %sub3A_20 : vector<5000x128xf32>
    %reduce_sum3A_21 = arith.constant dense<0.000000e+00> : vector<5000xf32>
    %reduce_sum3A_22 = vector.multi_reduction <add>, %integer_pow3A, %reduce_sum3A_21 [1] : vector<5000x128xf32> to vector<5000xf32>
    %broadcast_in_dim3A_23 = vector.shape_cast %reduce_sum3A_22 : vector<5000xf32> to vector<5000x1xf32>
    %div3A_24 = arith.constant 1.280000e+02 : f32
    %div3A_25 = vector.broadcast %div3A_24 : f32 to vector<5000x1xf32>
    %div3A_26 = arith.divf %broadcast_in_dim3A_23, %div3A_25 : vector<5000x1xf32>
    %sub3A_27 = vector.broadcast %div3A_19 : vector<5000x1xf32> to vector<5000x128xf32>
    %sub3A_28 = arith.subf %add3A_16, %sub3A_27 : vector<5000x128xf32>
    %add3A_29 = arith.constant 9.99999974E-6 : f32
    %add3A_30 = vector.broadcast %add3A_29 : f32 to vector<5000x1xf32>
    %add3A_31 = arith.addf %div3A_26, %add3A_30 : vector<5000x1xf32>
    %rsqrt3A = math.rsqrt %add3A_31 : vector<5000x1xf32>
    %mul3A = vector.broadcast %rsqrt3A : vector<5000x1xf32> to vector<5000x128xf32>
    %mul3A_32 = arith.mulf %sub3A_28, %mul3A : vector<5000x128xf32>
    %swap3A = arith.constant 0 : index
    %swap3A_33 = arith.constant 0 : index
    %swap3A_34 = vector.load %arg4[%swap3A, %swap3A_33] : memref<5000x128xf32, #tpu.memory_space<vmem>>, vector<5000x128xf32>
    tpu.vector_store %arg4[%swap3A, %swap3A_33], %mul3A_32 {strides = array<i32>} : memref<5000x128xf32, #tpu.memory_space<vmem>>, vector<5000x128xf32>,
    return
  }
  func.func @transform_0(%arg0: i32) -> (i32, i32) {
    %c0_i32 = arith.constant 0 : i32
    %c0_i32_0 = arith.constant 0 : i32
    return %arg0, %c0_i32 : i32, i32
  }
  func.func @transform_1(%arg0: i32) -> (i32, i32) {
    %c0_i32 = arith.constant 0 : i32
    %c0_i32_0 = arith.constant 0 : i32
    %c0_i32_1 = arith.constant 0 : i32
    return %c0_i32, %c0_i32_0 : i32, i32
  }
  func.func @transform_2(%arg0: i32) -> (i32, i32, i32) {
    %c0_i32 = arith.constant 0 : i32
    %c0_i32_0 = arith.constant 0 : i32
    %c0_i32_1 = arith.constant 0 : i32
    return %c0_i32, %arg0, %c0_i32_0 : i32, i32, i32
  }
  func.func @transform_3(%arg0: i32) -> (i32, i32) {
    %c0_i32 = arith.constant 0 : i32
    %c0_i32_0 = arith.constant 0 : i32
    return %arg0, %c0_i32 : i32, i32
  }
}

</mosaic_0001>

<sc_bundles>
// kernel: kernel.4.cloned.1.call-start
scs
__scs_entry_jumppad:
0x0: {  	(pc) =	sbr.rel $0x88, $3  }
0x1: {  	(tag) =	ssettag $0x0;
	lr =	simm.s32 $0x1  }
0x2: {  	[smem:$0x3F9E] =	sst lr;
	_ =	strace $0xD0000000  }
0x3: {  	_ = 	snop  }
0x4: {  	_ = 	snop  }
0x5: {  	_ = 	snop  }
0x6: {  	_ = 	snop  }
0x7: {  	_ = 	snop  }
__scs_overlays_trampoline_lowered:
0x8: {  	[smem:$0x3FAD] =	sst s0  }
0x9: {  	[smem:$0x3FAE] =	sst s1  }
0xa: {  	[smem:$0x3FAF] =	sst s2  }
0xb: {  	[smem:$0x3FB0] =	sst s3  }
0xc: {  	[smem:$0x3FB1] =	sst s4  }
0xd: {  	[smem:$0x3FB2] =	sst s5  }
0xe: {  	[smem:$0x3FB3] =	sst s6  }
0xf: {  	[smem:$0x3FB4] =	sst s7  }
0x10: {  	[smem:$0x3FB5] =	sst s8  }
0x11: {  	[smem:$0x3FB6] =	sst s9;
	s0 =	simm.s32 @!p0 $0x0  }
0x12: {  	s1 =	sld [smem:$0x3F9C];
	s0 =	simm.s32 @p0 $0x1  }
0x13: {  	[smem:$0x3FB7] =	sst s0;
	s0 =	simm.s32 @!p1 $0x0  }
0x14: {  	s2 =	sld [smem:$0x3F9B];
	s0 =	simm.s32 @p1 $0x1  }
0x15: {  	[smem:$0x3FB8] =	sst s0;
	s0 =	simm.s32 @!p2 $0x0  }
0x16: {  	s3 =	sld [smem:$0x3FDB];
	s0 =	simm.s32 @p2 $0x1  }
0x17: {  	s4 =	simm.s32 $0x1BF5;
	[smem:$0x3FBA] =	sst s0  }
0x18: {  	s0 =	sld [smem:$0x3F9D];
	_ =	swait.ge [sflag:s4], $0x0  }
0x19: {  	s7 =	sld [smem:$0x3F9E]  }
0x1a: {  	s8 =	sadd.s32 $0xFFFFE003, lr  }
0x1b: {  	s9 =	sadd.s32 $0xFFFFFEF7, lr;
	s5 =	simm.s32 $0xFFFFFFFF;
	p2 =	slt.u32 s8, $0xFFFFF086  }
0x1c: {  	p1 =	slt.u32 s9, $0xF7A;
	s5 =	simm.s32 @!p2 $0x0  }
0x1d: {  	s5 =	simm.s32 @p1 $0x1;
	p0 =	seq.s32 s7, s2  }
0x1e: {  	s7 =	smul.u32 @!p0 $0xF7A, s2;
	p2 =	seq.s32 @!p0 s5, $0x0  }
0x1f: {  	s9 =	smul.u32 $0xF7A, s1;
	s8 =	simm.s32 @!p0 $0x1BF5;
	p2 =	por !p2, p0  }
0x20: {  	[sflag:s8] =	ssyncset.s32 @!p0 $0xFFFFF086;
	s6 =	sadd.s32 @!p0 s3, s7;
	s7 =	simm.s32 @!p0 $0x108  }
0x21: {  	s3 =	sadd.s32 s3, s9;
	s6 =	sadd.s32 @!p0 $0x88, s6;
	s7 =	simm.s32 @p2 $0x1082  }
0x22: {  	[simem:s7], [sflag:s8] =	dma.local @!p0 [hbm:s6], $0xF7A  }
0x23: {  	s9 =	sor.u32 $0xD0000000, s2;
	s6 =	simm.s32 $0x108;
	_ =	swait.ge @!p0 [sflag:s8], $0x0  }
0x24: {  	s3 =	sadd.s32 $0x88, s3;
	s6 =	simm.s32 @!p1 $0x1082;
	[sflag:s4] =	ssyncset.s32 $0xFFFFF086  }
0x25: {  	[simem:s6], [sflag:s4] =	dma.local [hbm:s3], $0xF7A  }
0x26: {  	[smem:$0x3F9E] =	sst s1;
	(tag) =	ssettag s2;
	_ =	strace s9  }
0x27: {  	s1 =	sld [smem:$0x3FAE]  }
0x28: {  	s2 =	sld [smem:$0x3FAF]  }
0x29: {  	s4 =	sld [smem:$0x3FB1]  }
0x2a: {  	p0 =	seq.s32 s5, $0x0;
	s5 =	sld [smem:$0x3FB2]  }
0x2b: {  	s6 =	sld [smem:$0x3FB3]  }
0x2c: {  	s7 =	sld [smem:$0x3FB4]  }
0x2d: {  	s3 =	simm.s32 $0x108;
	s8 =	sld [smem:$0x3FB5]  }
0x2e: {  	s3 =	simm.s32 @!p0 $0x1082;
	s9 =	sld [smem:$0x3FB6]  }
0x2f: {  	lr =	sadd.s32 s0, s3;
	s0 =	sld [smem:$0x3FAD]  }
0x30: {  	s3 =	sld [smem:$0x3FB0]  }
0x31: {  	[smem:$0x3FB9] =	sst s10  }
0x32: {  	s10 =	sld [smem:$0x3FB7];
	_ =	sdelay $0x3  }
0x33: {  	p0 =	seq.s32 s10, $0x1;
	s10 =	sld [smem:$0x3FB9];
	_ =	sdelay $0x3  }
0x34: {  	[smem:$0x3FB9] =	sst s10  }
0x35: {  	s10 =	sld [smem:$0x3FB8];
	_ =	sdelay $0x3  }
0x36: {  	p1 =	seq.s32 s10, $0x1;
	s10 =	sld [smem:$0x3FB9];
	_ =	sdelay $0x3  }
0x37: {  	[smem:$0x3FB9] =	sst s10  }
0x38: {  	s10 =	sld [smem:$0x3FBA]  }
0x39: {  	_ = 	snop;
	(pc) =	sbr.ind lr, $3  }
0x3a: {  	_ = 	snop  }
0x3b: {  	_ = 	snop  }
0x3c: {  	p2 =	seq.s32 s10, $0x1;
	s10 =	sld [smem:$0x3FB9]  }
0x3d: {  	_ =	shalt  }
0x3e: {  	_ =	shalt  }
0x3f: {  	_ =	shalt  }
0x40: {  	_ =	shalt  }
0x41: {  	_ =	shalt  }
0x42: {  	_ =	shalt  }
0x43: {  	_ =	shalt  }
0x44: {  	_ =	shalt  }
0x45: {  	_ =	shalt  }
0x46: {  	_ =	shalt  }
0x47: {  	_ =	shalt  }
0x48: {  	_ =	shalt  }
0x49: {  	_ =	shalt  }
0x4a: {  	_ =	shalt  }
0x4b: {  	_ =	shalt  }
0x4c: {  	_ =	shalt  }
0x4d: {  	_ =	shalt  }
0x4e: {  	_ =	shalt  }
0x4f: {  	_ =	shalt  }
0x50: {  	_ =	shalt  }
0x51: {  	_ =	shalt  }
0x52: {  	_ =	shalt  }
0x53: {  	_ =	shalt  }
0x54: {  	_ =	shalt  }
0x55: {  	_ =	shalt  }
0x56: {  	_ =	shalt  }
0x57: {  	_ =	shalt  }
0x58: {  	_ =	shalt  }
0x59: {  	_ =	shalt  }
0x5a: {  	_ =	shalt  }
0x5b: {  	_ =	shalt  }
0x5c: {  	_ =	shalt  }
0x5d: {  	_ =	shalt  }
0x5e: {  	_ =	shalt  }
0x5f: {  	_ =	shalt  }
0x60: {  	_ =	shalt  }
0x61: {  	_ =	shalt  }
0x62: {  	_ =	shalt  }
0x63: {  	_ =	shalt  }
0x64: {  	_ =	shalt  }
0x65: {  	_ =	shalt  }
0x66: {  	_ =	shalt  }
0x67: {  	_ =	shalt  }
0x68: {  	_ =	shalt  }
0x69: {  	_ =	shalt  }
0x6a: {  	_ =	shalt  }
0x6b: {  	_ =	shalt  }
0x6c: {  	_ =	shalt  }
0x6d: {  	_ =	shalt  }
0x6e: {  	_ =	shalt  }
0x6f: {  	_ =	shalt  }
0x70: {  	_ =	shalt  }
0x71: {  	_ =	shalt  }
0x72: {  	_ =	shalt  }
0x73: {  	_ =	shalt  }
0x74: {  	_ =	shalt  }
0x75: {  	_ =	shalt  }
0x76: {  	_ =	shalt  }
0x77: {  	_ =	shalt  }
0x78: {  	_ =	shalt  }
0x79: {  	_ =	shalt  }
0x7a: {  	_ =	shalt  }
0x7b: {  	_ =	shalt  }
0x7c: {  	_ =	shalt  }
0x7d: {  	_ =	shalt  }
0x7e: {  	_ =	shalt  }
0x7f: {  	_ =	shalt  }
0x80: {  	_ =	shalt  }
0x81: {  	_ =	shalt  }
0x82: {  	_ =	shalt  }
0x83: {  	_ =	shalt  }
0x84: {  	_ =	shalt  }
0x85: {  	_ =	shalt  }
0x86: {  	_ =	shalt  }
0x87: {  	_ =	shalt  }
.Lfunc_end0:
.L_simem_size_0:
called_computation_lowered:
.L_overlay_start_0:
0x88: {  	s2 =	sld [smem:$0x3FD9]  }
0x89: {  	s3 =	sld [smem:$0x3FFE];
	_ =	sdelay $0x1  }
0x8a: {  	s1 =	srdreg.scid  }
0x8b: {  	s0 =	sand.u32 $0x1, s1  }
0x8c: {  	s17 =	sshll.u32 s0, $0xA;
	s2 =	sadd.s32 s3, s2  }
0x8d: {  	s2 =	sadd.s32 s2, s17  }
0x8e: {  	[smem:$0x3FC5] =	sst s2  }
0x8f: {  	_ = 	snop  }
0x90: {  	s2 =	sld [smem:$0x3FC9]  }
0x91: {  	s18 =	sld [smem:$0x3FD0];
	(tm) =	ssettm $0x1  }
0x92: {  	s4 =	sld [smem:$0x3FFB];
	_ =	sdelay $0x3  }
0x93: {  	_ =	strace s4  }
0x94: {  	s4 =	sld [smem:$0x3FFC];
	_ =	sdelay $0x3  }
0x95: {  	_ =	strace s4  }
0x96: {  	s4 =	sld [smem:$0x3FFD];
	_ =	sdelay $0x3  }
0x97: {  	_ =	strace s4  }
0x98: {  	_ =	strace $0x8FFFFFFF  }
0x99: {  	s19 =	sld [smem:$0x3FDB];
	_ =	sdelay $0x1  }
0x9a: {  	s5 =	simm.s32 $_scs_section_size  }
0x9b: {  	s6 =	simm.s32 $_size__tile_overlayer_lowered;
	s7 =	simm.s32 $_tile_overlayer_lowered  }
0x9c: {  	s22 =	simm.s32 $0x1BFF;
	s21 =	sshll.u32 s7, $0x1;
	s4 =	sadd.s32 s5, s19  }
0x9d: {  	s8 =	simm.s32 $0x0;
	s20 =	sshll.u32 s6, $0x1;
	s6 =	sadd.s32 s21, s4  }
0x9e: {  	[timem:s8], [sflag:s22] =	dma.local [hbm:s6], s20  }
0x9f: {  	_ =	swait.ge [sflag:s22], s20  }
0xa0: {  	s5 =	ssub.s32 $0x0, s20;
	[sflag:s22] =	ssyncset.done $0x0  }
0xa1: {  	[sflag:s22] =	ssyncadd.s32 s5;
	_ =	sdelay $0x1  }
0xa2: {  	s23 =	simm.s32 $0x1B8B  }
0xa3: {  	_ =	swait.ge [sflag:s23], $0x1  }
0xa4: {  	[sflag:s23] =	ssyncset.done $0x0  }
0xa5: {  	s25 =	simm.s32 $0x1B8E;
	s24 =	sld [smem:$0x3FFE];
	[sflag:s23] =	ssyncadd.s32 $0xFFFFFFFF  }
0xa6: {  	s26 =	simm.s32 $execute0_lowered;
	[smem:$0x3FD2] =	sst s25  }
0xa7: {  	s6 =	sshll.u32 s26, $0x1;
	_ =	strace $0x80000046;
	[dreg:$0x1] =	wrdreg $0xFFFFFFFF  }
0xa8: {  	s28 =	simm.s32 $_size_execute0_lowered;
	s4 =	sadd.s32 s4, s6;
	[dreg:$0x0] =	wrdreg $0x0  }
0xa9: {  	s6 =	sshll.u32 s28, $0x1;
	[dreg:$0x2] =	wrdreg s4  }
0xaa: {  	[dreg:$0x3] =	wrdreg s6  }
0xab: {  	[dreg:$0x4] =	wrdreg $0xC0  }
0xac: {  	_ =	task [dreg:s8], $0x5FFFF  }
0xad: {  	[dreg:$0x1] =	wrdreg $0xFFFFFFFF  }
0xae: {  	[dreg:$0x0] =	wrdreg $0x60  }
0xaf: {  	[dreg:$0x2] =	wrdreg s2  }
0xb0: {  	[dreg:$0x3] =	wrdreg s24  }
0xb1: {  	[dreg:$0x4] =	wrdreg s18  }
0xb2: {  	[dreg:$0x5] =	wrdreg $0x0  }
0xb3: {  	[dreg:$0x6] =	wrdreg $0x9  }
0xb4: {  	_ =	task.clear_ibuf [dreg:s8], $0x7FFFF;
	_ =	strace $0x90000046  }
0xb5: {  	s29 =	simm.s32 $0x9;
	_ =	strace $0x80000048  }
0xb6: {  	_ =	swait.ge [sflag:s29], $0x1  }
0xb7: {  	[sflag:s29] =	ssyncadd.s32 $0xFFFFFFFF  }
0xb8: {  	_ =	strace $0x90000048  }
0xb9: {  	_ =	sfence  }
0xba: {  	s30 =	sld [smem:$0x0];
	_ =	sdelay $0x2  }
0xbb: {  	s31 =	sshll.u32 s1, $0xD;
	s1 =	sshrl.u32 s1, $0x2  }
0xbc: {  	s3 =	sand.u32 $0x4000, s31;
	s1 =	sadd.s32 s1, s30  }
0xbd: {  	s0 =	sor.u32 s3, s0;
	s1 =	sshll.u32 s1, $0x11  }
0xbe: {  	s0 =	sor.u32 s1, s0  }
0xbf: {  	s0 =	sadd.s32 $0x8F2B, s0  }
0xc0: {  	[sflag:s0] =	ssyncadd.remote.s32 $0x1  }
0xc1: {  	_ =	sfence.sel $0xFFFF  }
0xc2: {  	[dreg:$0x0] =	wrdreg $0xFFFFFFFF;
	(pc) =	sbr.abs _section_cstart, $3  }
0xc3: {  	[dreg:$0x1] =	wrdreg $0xFFFFFFFF  }
0xc4: {  	_ =	task.clear_ibuf [dreg:s8], $0x2FFFF;
	_ =	strace $0x9FFFFFFF  }
0xc5: {  	(tm) =	ssettm $0x7FFFFFFF  }
tec
execute0_lowered:
.L_overlay_start_1:
0x0: {  	(tag) =	ssettag $0x1  }
0x1: {  	s1 =	rddreg [dreg:$0x0]  }
0x2: {  	s0 =	rddreg [dreg:$0x1]  }
0x3: {  	s2 =	srdreg.scid;
	s4 =	rddreg [dreg:$0x2]  }
0x4: {  	s11 =	stileid.u32;
	s3 =	rddreg [dreg:$0x3];
	s6 =	simm.s32 $0x0  }
0x5: {  	s28 =	simm.s32 $0x28;
	s30 =	simm.s32 $0x18C00;
	s20 =	smul.u32 $0x14000, s11  }
0x6: {  	s31 =	simm.s32 $0x16800;
	s2 =	sand.u32 $0x1, s2;
	s21 =	smul.u32 $0x50000, s11  }
0x7: {  	s5 =	sshll.u32 s11, $0x1;
	p0 =	seq.s32 s11, $0xF;
	s11 =	smul.u32 $0x4E20, s11  }
0x8: {  	s29 =	simm.s32 $0x17000;
	[smem:$0x7FF] =	sst s6;
	s19 =	smul.u32 $0x138800, s2  }
0x9: {  	s5 =	sor.u32 s2, s5;
	s13 =	ssub.s32 $0x2, s2;
	s2 =	smul.u32 $0x2710, s2  }
0xa: {  	_ =	strace $0x80000047;
	s5 =	smul.u32 $0x2710, s5;
	s7 =	sshrl.u32 s13, $0x1  }
0xb: {  	s23 =	sshrl.u32 s21, $0x2;
	s21 =	simm.s32 $0x17800;
	s6 =	ssub.s32 s13, s7  }
0xc: {  	s7 =	simm.s32 $0x5;
	s24 =	sshrl.u32 s19, $0x3;
	s2 =	sadd.s32 s2, s11  }
0xd: {  	s11 =	simm.s32 $0x6;
	s13 =	simm.s32 $0x9;
	s8 =	sshrl.u32 s5, $0x3  }
0xe: {  	s15 =	sadd.s32 $0x28, s5;
	s17 =	sadd.s32 $0x78, s5;
	s5 =	sadd.s32 $0xC8, s5  }
0xf: {  	s25 =	sadd.s32 $0xF0, s2;
	s2 =	sadd.s32 $0x118, s2;
	s6 =	smax.u32 s6, $0x1  }
0x10: {  	s9 =	sadd.s32 s8, s0;
	s0 =	sadd.s32 $0xA600, s0;
	s10 =	sadd.s32 s4, s8  }
0x11: {  	s16 =	sshrl.u32 s15, $0x3;
	s18 =	sshrl.u32 s17, $0x3;
	[dreg:$0x10] =	wrdreg s6  }
0x12: {  	s5 =	sshrl.u32 s5, $0x3;
	s14 =	sadd.s32 $0x800, s9;
	[dreg:$0x7] =	wrdreg s10  }
0x13: {  	s2 =	sshrl.u32 s2, $0x3;
	s8 =	sadd.s32 s4, s16;
	[dreg:$0x5] =	wrdreg s14  }
0x14: {  	s17 =	simm.s32 $0x0;
	s12 =	sadd.s32 $0xA, s10;
	[dreg:$0x8] =	wrdreg s8  }
0x15: {  	s9 =	simm.s32 $0x5;
	s10 =	sadd.s32 $0x14, s10;
	[dreg:$0x9] =	wrdreg s12  }
0x16: {  	s5 =	sadd.s32 s4, s5;
	s26 =	sadd.s32 s2, s4;
	[dreg:$0xb] =	wrdreg s10  }
0x17: {  	s2 =	simm.s32 $0x16C00;
	s16 =	simm.s32 $0x4;
	[dreg:$0xc] =	wrdreg s5  }
0x18: {  	s9 =	simm.s32 @!p0 $0x8;
	s8 =	sadd.s32 s4, s18;
	[dreg:$0x12] =	wrdreg s26  }
0x19: {  	s10 =	simm.s32 $0x1DC00;
	s12 =	simm.s32 $0x3;
	[dreg:$0x6] =	wrdreg s9  }
0x1a: {  	s14 =	simm.s32 $0x8;
	[dreg:$0xa] =	wrdreg s8;
	s8 =	sadd.s32 s20, s19  }
0x1b: {  	s19 =	sadd.s32 s23, s3;
	s23 =	simm.s32 $0x1;
	s9 =	simm.s32 $0x1C800  }
0x1c: {  	s20 =	simm.s32 $0x7;
	s22 =	sshrl.u32 s8, $0x3;
	s8 =	simm.s32 $0x2  }
0x1d: {  	[dreg:$0xe] =	wrdreg s19;
	s5 =	sadd.s32 s0, s22;
	s0 =	sadd.s32 s0, s24  }
.Ltmp0:
0x1e: {  	s24 =	simm.s32 $0x13880;
	s0 =	sadd.s32 $0x25800, s0;
	(pc) =	sbr.rel .LBB2_1-.Ltmp0, $4  }
0x1f: {  	s22 =	simm.s32 $0xA;
	[dreg:$0xf] =	wrdreg s0;
	s0 =	sshrl.u32 s25, $0x3  }
0x20: {  	[dreg:$0xd] =	wrdreg s5;
	s5 =	sadd.s32 $0x12C000, s3;
	s0 =	sadd.s32 s0, s4  }
0x21: {  	s4 =	simm.s32 $0x1B400;
	[dreg:$0x11] =	wrdreg s0;
	s0 =	sshrl.u32 @p0 s5, $0x3  }
0x22: {  	v0 =	vimm.f32 $0.0e+00;
	s5 =	simm.s32 $0x17400;
	[dreg:$0x13] =	wrdreg s0;
	s0 =	simm.s32 $0x1A000  }
.LBB2_12:
0x23: {  	[bflag:$0x0] =	sbarrier.arrive $0xFFFF  }
0x24: {  	s15 =	rddreg [dreg:$0xf]  }
0x25: {  	s6 =	simm.s32 @p0 $0x1FCA;
	s18 =	rddreg [dreg:$0x13]  }
0x26: {  	[hbm:s15], [sflag:s6] =	dma.local @p0 [spmem:s18], $0x1900  }
0x27: {  	s6 =	simm.s32 @p0 $0xA  }
0x28: {  	_ =	swait.ge @p0 [sflag:s6], $0x1900  }
0x29: {  	s15 =	stileid.u32;
	s19 =	rddreg [dreg:$0xe]  }
0x2a: {  	s15 =	sshll.u32 @!p0 s15, $0x6;
	[sflag:s6] =	ssyncset.done @p0 $0x0;
	s18 =	rddreg [dreg:$0xd]  }
0x2b: {  	[sflag:s6] =	ssyncadd.s32 @p0 $0xFFFFE700;
	s6 =	sor.u32 @!p0 $0x1C0A, s15;
	s15 =	sshrl.u32 @!p0 s19, $0x3  }
0x2c: {  	[hbm:s18], [sflag:s6] =	dma.local @!p0 [spmem:s15], $0x2800  }
0x2d: {  	s6 =	simm.s32 @!p0 $0xA  }
0x2e: {  	_ =	swait.ge @!p0 [sflag:s6], $0x2800  }
0x2f: {  	s17 =	sadd.s32 $0x1, s17;
	s26 =	rddreg [dreg:$0x10]  }
0x30: {  	p1 =	sne.s32 s17, s26  }
.Ltmp1:
0x31: {  	_ = 	snop;
	(pc) =	sbr.rel @!p1 .LBB2_13-.Ltmp1, $3  }
0x32: {  	_ =	sdelay $0x1  }
0x33: {  	[sflag:s6] =	ssyncset.done @!p0 $0x0  }
0x34: {  	s24 =	simm.s32 $0x13880;
	[sflag:s6] =	ssyncadd.s32 @!p0 $0xFFFFD800  }
.LBB2_1:
0x35: {  	s6 =	simm.s32 $0x0;
	s15 =	rddreg [dreg:$0x5]  }
0x36: {  	[tilespmem:s24], [sflag:$0x1] =	stream.linear.gather [hbm4b:s15+s6], $0x2710, $0x38;
	[tilespmem:$0x1F000] =	vst v63  }
0x37: {  	s18 =	simm.s32 $0x200;
	s6 =	simm.s32 $0x0  }
.LBB2_2:
0x38: {  	p1 =	sne.s32 s18, $0x9E00;
	[tilespmem:s6+$0x17870] =	vst v0  }
0x39: {  	[tilespmem:s6+$0x17800] =	vst v0  }
0x3a: {  	[tilespmem:s6+$0x17810] =	vst v0  }
.Ltmp2:
0x3b: {  	[tilespmem:s6+$0x17820] =	vst v0;
	(pc) =	sbr.rel @p1 .LBB2_2-.Ltmp2, $4  }
0x3c: {  	[tilespmem:s6+$0x17830] =	vst v0  }
0x3d: {  	[tilespmem:s6+$0x17840] =	vst v0  }
0x3e: {  	[tilespmem:s6+$0x17850] =	vst v0  }
0x3f: {  	[tilespmem:s6+$0x17860] =	vst v0;
	s6 =	sshra.s32 s18, $0x2;
	s18 =	sadd.s32 $0x200, s18  }
0x40: {  	[tilespmem:s6+$0x17870] =	vst v0  }
0x41: {  	[tilespmem:s6+$0x17800] =	vst v0  }
0x42: {  	[tilespmem:s6+$0x17810] =	vst v0  }
0x43: {  	[tilespmem:s6+$0x17820] =	vst v0  }
0x44: {  	[tilespmem:s6+$0x17830] =	vst v0;
	s26 =	rddreg [dreg:$0x6]  }
0x45: {  	[tilespmem:s6+$0x17840] =	vst v0;
	p1 =	sne.s32 s26, $0x1  }
.Ltmp3:
0x46: {  	[tilespmem:s6+$0x17850] =	vst v0;
	(pc) =	sbr.rel @!p1 .LBB2_5-.Ltmp3, $4  }
0x47: {  	[tilespmem:s6+$0x17860] =	vst v0  }
0x48: {  	[spmem:s19] =	stream.linear.scatter [tilespmem:s21], [sflag:$0xA], $0x2800, $0x38;
	[tilespmem:$0x1F000] =	vst v63  }
0x49: {  	_ =	swait.ge [sflag:s22], $0x2800  }
0x4a: {  	s18 =	smov.u32 s19;
	s6 =	sadd.s32 $0xFFFFFFFF, s26;
	[sflag:s22] =	ssyncset.done $0x0  }
.LBB2_4:
0x4b: {  	p1 =	sne.s32 s6, $0x1;
	[sflag:s22] =	ssyncadd.s32 $0xFFFFD800;
	s18 =	sadd.s32 $0x2800, s18  }
.Ltmp4:
0x4c: {  	s6 =	sadd.s32 $0xFFFFFFFF, s6;
	(pc) =	sbr.rel @p1 .LBB2_4-.Ltmp4, $4  }
0x4d: {  	_ = 	snop  }
0x4e: {  	[spmem:s18] =	stream.linear.scatter [tilespmem:s21], [sflag:$0xA], $0x2800, $0x38;
	[tilespmem:$0x1F000] =	vst v63  }
0x4f: {  	_ =	swait.ge [sflag:s22], $0x2800  }
0x50: {  	[sflag:s22] =	ssyncset.done $0x0  }
.LBB2_5:
0x51: {  	[sflag:s22] =	ssyncadd.s32 $0xFFFFD800  }
0x52: {  	_ =	swait.ge [sflag:s23], $0x2710  }
0x53: {  	s18 =	simm.s32 $0x0;
	[sflag:s23] =	ssyncset.done $0x0  }
0x54: {  	s15 =	simm.s32 $0x16000;
	s6 =	rddreg [dreg:$0x7];
	[sflag:s23] =	ssyncadd.s32 $0xFFFFD8F0  }
0x55: {  	[tilespmem:s15], [sflag:$0x4] =	stream.linear.gather [hbm4b:s6+s18], $0x28, $0x38;
	[tilespmem:$0x1F000] =	vst v63  }
0x56: {  	s26 =	simm.s32 $0x16400;
	s25 =	rddreg [dreg:$0x8]  }
0x57: {  	[tilespmem:s26], [sflag:$0x4] =	stream.linear.gather [hbm4b:s25+s18], $0x28, $0x38;
	[tilespmem:$0x1F000] =	vst v63  }
0x58: {  	_ = 	snop  }
0x59: {  	[tilespmem:s21], [sflag:$0x1] =	stream.indirect.gather [hbm4b:s1+s28], $0x80, s24, s28, $0xb8;
	[tilespmem:$0x1F000] =	vst v63  }
0x5a: {  	s19 =	simm.s32 $0x138A8  }
0x5b: {  	[tilespmem:s30], [sflag:$0x1] =	stream.indirect.gather [hbm4b:s1+s28], $0x80, s19, s28, $0xb8;
	[tilespmem:$0x1F000] =	vst v63  }
0x5c: {  	s24 =	rddreg [dreg:$0x9]  }
0x5d: {  	[tilespmem:s31], [sflag:$0x5] =	stream.linear.gather [hbm4b:s24+s18], $0x28, $0x38;
	[tilespmem:$0x1F000] =	vst v63  }
0x5e: {  	s25 =	rddreg [dreg:$0xa]  }
0x5f: {  	[tilespmem:s2], [sflag:$0x5] =	stream.linear.gather [hbm4b:s25+s18], $0x28, $0x38;
	[tilespmem:$0x1F000] =	vst v63  }
0x60: {  	s26 =	simm.s32 $0x138D0  }
0x61: {  	[tilespmem:s0], [sflag:$0x2] =	stream.indirect.gather [hbm4b:s1+s28], $0x80, s26, s28, $0xb8;
	[tilespmem:$0x1F000] =	vst v63  }
0x62: {  	s15 =	simm.s32 $0x138F8  }
0x63: {  	[tilespmem:s4], [sflag:$0x2] =	stream.indirect.gather [hbm4b:s1+s28], $0x80, s15, s28, $0xb8;
	[tilespmem:$0x1F000] =	vst v63  }
0x64: {  	s19 =	rddreg [dreg:$0xb]  }
0x65: {  	[tilespmem:s29], [sflag:$0x6] =	stream.linear.gather [hbm4b:s19+s18], $0x28, $0x38;
	[tilespmem:$0x1F000] =	vst v63  }
0x66: {  	s24 =	rddreg [dreg:$0xc]  }
0x67: {  	[tilespmem:s5], [sflag:$0x6] =	stream.linear.gather [hbm4b:s24+s18], $0x28, $0x38;
	[tilespmem:$0x1F000] =	vst v63  }
0x68: {  	s25 =	simm.s32 $0x13920  }
0x69: {  	[tilespmem:s9], [sflag:$0x3] =	stream.indirect.gather [hbm4b:s1+s28], $0x80, s25, s28, $0xb8;
	[tilespmem:$0x1F000] =	vst v63  }
.Ltmp5:
0x6a: {  	s26 =	simm.s32 $0x13948;
	(pc) =	sbr.rel .LBB2_6-.Ltmp5, $4  }
0x6b: {  	[tilespmem:s10], [sflag:$0x3] =	stream.indirect.gather [hbm4b:s1+s28], $0x80, s26, s28, $0xb8;
	[tilespmem:$0x1F000] =	vst v63  }
0x6c: {  	[bflag:$0x0] =	sbarrier.arrive $0xFFFF  }
0x6d: {  	s25 =	rddreg [dreg:$0x12]  }
0x6e: {  	s19 =	simm.s32 $0x13998;
	s6 =	rddreg [dreg:$0x11]  }
.LBB2_10:
0x6f: {  	_ =	swait.ge [sflag:s11], $0x28  }
0x70: {  	[sflag:s11] =	ssyncset.done $0x0  }
0x71: {  	[sflag:s11] =	ssyncadd.s32 $0xFFFFFFD8  }
0x72: {  	_ =	swait.ge [sflag:s11], $0x28  }
0x73: {  	[sflag:s11] =	ssyncset.done $0x0  }
0x74: {  	[sflag:s11] =	ssyncadd.s32 $0xFFFFFFD8  }
0x75: {  	_ =	swait.ge [sflag:s12], $0x1400  }
0x76: {  	[sflag:s12] =	ssyncset.done $0x0  }
0x77: {  	[sflag:s12] =	ssyncadd.s32 $0xFFFFEC00  }
0x78: {  	_ =	swait.ge [sflag:s12], $0x1400  }
0x79: {  	[sflag:s12] =	ssyncset.done $0x0  }
0x7a: {  	[sflag:s12] =	ssyncadd.s32 $0xFFFFEC00  }
0x7b: {  	[spmem:s3] =	stream.indirect.scatter.add.f32 [tilespmem:s9], [sflag:$0x9], $0x80, s29, s28, $0xb8;
	[tilespmem:$0x1F000] =	vst v63  }
0x7c: {  	_ = 	snop  }
0x7d: {  	[spmem:s3] =	stream.indirect.scatter.add.f32 [tilespmem:s10], [sflag:$0x9], $0x80, s5, s28, $0xb8;
	[tilespmem:$0x1F000] =	vst v63  }
0x7e: {  	_ =	swait.ge [sflag:s13], $0x1400  }
0x7f: {  	[sflag:s13] =	ssyncset.done $0x0  }
0x80: {  	[sflag:s13] =	ssyncadd.s32 $0xFFFFEC00  }
0x81: {  	_ =	swait.ge [sflag:s13], $0x1400  }
0x82: {  	p1 =	sgt.u32 s18, $0x79;
	[sflag:s13] =	ssyncset.done $0x0  }
0x83: {  	s15 =	simm.s32 @!p1 $0x0;
	s24 =	simm.s32 @!p1 $0x17000;
	[sflag:s13] =	ssyncadd.s32 $0xFFFFEC00  }
0x84: {  	[tilespmem:s24], [sflag:$0x6] =	stream.linear.gather @!p1 [hbm4b:s6+s15], $0x28, $0x38;
	[tilespmem:$0x1F000] =	vst v63  }
0x85: {  	s24 =	simm.s32 @!p1 $0x17400  }
0x86: {  	[tilespmem:s24], [sflag:$0x6] =	stream.linear.gather @!p1 [hbm4b:s25+s15], $0x28, $0x38;
	[tilespmem:$0x1F000] =	vst v63  }
0x87: {  	s26 =	simm.s32 @!p1 $0x1C800;
	s15 =	sadd.s32 @!p1 $0xFFFFFFD8, s19;
	s24 =	simm.s32 @!p1 $0x28  }
0x88: {  	[tilespmem:s26], [sflag:$0x3] =	stream.indirect.gather @!p1 [hbm4b:s1+s24], $0x80, s15, s24, $0xb8;
	[tilespmem:$0x1F000] =	vst v63  }
0x89: {  	s15 =	simm.s32 @!p1 $0x1DC00  }
0x8a: {  	[tilespmem:s15], [sflag:$0x3] =	stream.indirect.gather @!p1 [hbm4b:s1+s24], $0x80, s19, s24, $0xb8;
	[tilespmem:$0x1F000] =	vst v63  }
.LBB2_11:
0x8b: {  	s18 =	sadd.s32 $0x1, s18  }
0x8c: {  	p1 =	sne.s32 s18, $0x7D  }
.Ltmp6:
0x8d: {  	_ = 	snop;
	(pc) =	sbr.rel @!p1 .LBB2_12-.Ltmp6, $2  }
0x8e: {  	_ =	sdelay $0x2  }
0x8f: {  	s6 =	sadd.s32 $0xA, s6;
	s25 =	sadd.s32 $0xA, s25;
	s19 =	sadd.s32 $0x50, s19  }
.LBB2_6:
0x90: {  	s15 =	smul.u32 $0xAB, s18;
	_ =	sdelay $0x1  }
0x91: {  	s15 =	sshrl.u32 s15, $0x9  }
0x92: {  	s15 =	sand.u32 $0x7F, s15  }
0x93: {  	s15 =	smul.u32 $0x3, s15;
	_ =	sdelay $0x1  }
0x94: {  	s15 =	ssub.s32 s18, s15  }
0x95: {  	s15 =	sand.u32 $0xFF, s15  }
0x96: {  	p1 =	seq.s32 s15, $0x2  }
.Ltmp7:
0x97: {  	_ = 	snop;
	(pc) =	sbr.rel @p1 .LBB2_10-.Ltmp7, $1  }
0x98: {  	_ =	sdelay $0x3  }
0x99: {  	p1 =	seq.s32 s15, $0x1  }
.Ltmp8:
0x9a: {  	_ = 	snop;
	(pc) =	sbr.rel @!p1 .LBB2_8-.Ltmp8, $1  }
0x9b: {  	_ =	sdelay $0x3  }
0x9c: {  	_ =	swait.ge [sflag:s7], $0x28  }
0x9d: {  	[sflag:s7] =	ssyncset.done $0x0  }
0x9e: {  	[sflag:s7] =	ssyncadd.s32 $0xFFFFFFD8  }
0x9f: {  	_ =	swait.ge [sflag:s7], $0x28  }
0xa0: {  	[sflag:s7] =	ssyncset.done $0x0  }
0xa1: {  	[sflag:s7] =	ssyncadd.s32 $0xFFFFFFD8  }
0xa2: {  	_ =	swait.ge [sflag:s8], $0x1400  }
0xa3: {  	[sflag:s8] =	ssyncset.done $0x0  }
0xa4: {  	[sflag:s8] =	ssyncadd.s32 $0xFFFFEC00  }
0xa5: {  	_ =	swait.ge [sflag:s8], $0x1400  }
0xa6: {  	[sflag:s8] =	ssyncset.done $0x0  }
0xa7: {  	[sflag:s8] =	ssyncadd.s32 $0xFFFFEC00  }
0xa8: {  	[spmem:s3] =	stream.indirect.scatter.add.f32 [tilespmem:s0], [sflag:$0x8], $0x80, s31, s28, $0xb8;
	[tilespmem:$0x1F000] =	vst v63  }
0xa9: {  	_ = 	snop  }
0xaa: {  	[spmem:s3] =	stream.indirect.scatter.add.f32 [tilespmem:s4], [sflag:$0x8], $0x80, s2, s28, $0xb8;
	[tilespmem:$0x1F000] =	vst v63  }
0xab: {  	_ =	swait.ge [sflag:s14], $0x1400  }
0xac: {  	[sflag:s14] =	ssyncset.done $0x0  }
0xad: {  	[sflag:s14] =	ssyncadd.s32 $0xFFFFEC00  }
0xae: {  	_ =	swait.ge [sflag:s14], $0x1400  }
0xaf: {  	p1 =	sgt.u32 s18, $0x79;
	[sflag:s14] =	ssyncset.done $0x0  }
0xb0: {  	s15 =	simm.s32 @!p1 $0x0;
	s24 =	simm.s32 @!p1 $0x16800;
	[sflag:s14] =	ssyncadd.s32 $0xFFFFEC00  }
0xb1: {  	[tilespmem:s24], [sflag:$0x5] =	stream.linear.gather @!p1 [hbm4b:s6+s15], $0x28, $0x38;
	[tilespmem:$0x1F000] =	vst v63  }
0xb2: {  	s24 =	simm.s32 @!p1 $0x16C00  }
0xb3: {  	[tilespmem:s24], [sflag:$0x5] =	stream.linear.gather @!p1 [hbm4b:s25+s15], $0x28, $0x38;
	[tilespmem:$0x1F000] =	vst v63  }
.Ltmp9:
0xb4: {  	_ = 	snop;
	(pc) =	sbr.rel .LBB2_11-.Ltmp9, $4  }
0xb5: {  	s26 =	simm.s32 @!p1 $0x1A000;
	s15 =	sadd.s32 @!p1 $0xFFFFFFD8, s19;
	s24 =	simm.s32 @!p1 $0x28  }
0xb6: {  	[tilespmem:s26], [sflag:$0x2] =	stream.indirect.gather @!p1 [hbm4b:s1+s24], $0x80, s15, s24, $0xb8;
	[tilespmem:$0x1F000] =	vst v63  }
0xb7: {  	s15 =	simm.s32 @!p1 $0x1B400  }
0xb8: {  	[tilespmem:s15], [sflag:$0x2] =	stream.indirect.gather @!p1 [hbm4b:s1+s24], $0x80, s19, s24, $0xb8;
	[tilespmem:$0x1F000] =	vst v63  }
.LBB2_8:
0xb9: {  	_ =	swait.ge [sflag:s16], $0x28  }
0xba: {  	[sflag:s16] =	ssyncset.done $0x0  }
0xbb: {  	[sflag:s16] =	ssyncadd.s32 $0xFFFFFFD8  }
0xbc: {  	_ =	swait.ge [sflag:s16], $0x28  }
0xbd: {  	[sflag:s16] =	ssyncset.done $0x0  }
0xbe: {  	[sflag:s16] =	ssyncadd.s32 $0xFFFFFFD8  }
0xbf: {  	_ =	swait.ge [sflag:s23], $0x1400  }
0xc0: {  	[sflag:s23] =	ssyncset.done $0x0  }
0xc1: {  	[sflag:s23] =	ssyncadd.s32 $0xFFFFEC00  }
0xc2: {  	_ =	swait.ge [sflag:s23], $0x1400  }
0xc3: {  	[sflag:s23] =	ssyncset.done $0x0  }
0xc4: {  	s15 =	simm.s32 $0x16000;
	[sflag:s23] =	ssyncadd.s32 $0xFFFFEC00  }
0xc5: {  	[spmem:s3] =	stream.indirect.scatter.add.f32 [tilespmem:s21], [sflag:$0x7], $0x80, s15, s28, $0xb8;
	[tilespmem:$0x1F000] =	vst v63  }
0xc6: {  	s26 =	simm.s32 $0x16400  }
0xc7: {  	[spmem:s3] =	stream.indirect.scatter.add.f32 [tilespmem:s30], [sflag:$0x7], $0x80, s26, s28, $0xb8;
	[tilespmem:$0x1F000] =	vst v63  }
0xc8: {  	_ =	swait.ge [sflag:s20], $0x1400  }
0xc9: {  	[sflag:s20] =	ssyncset.done $0x0  }
0xca: {  	[sflag:s20] =	ssyncadd.s32 $0xFFFFEC00  }
0xcb: {  	_ =	swait.ge [sflag:s20], $0x1400  }
0xcc: {  	p1 =	sgt.u32 s18, $0x79;
	[sflag:s20] =	ssyncset.done $0x0  }
0xcd: {  	s24 =	simm.s32 @!p1 $0x16000;
	s15 =	simm.s32 @!p1 $0x0;
	[sflag:s20] =	ssyncadd.s32 $0xFFFFEC00  }
0xce: {  	[tilespmem:s24], [sflag:$0x4] =	stream.linear.gather @!p1 [hbm4b:s6+s15], $0x28, $0x38;
	[tilespmem:$0x1F000] =	vst v63  }
0xcf: {  	s24 =	simm.s32 @!p1 $0x16400  }
0xd0: {  	[tilespmem:s24], [sflag:$0x4] =	stream.linear.gather @!p1 [hbm4b:s25+s15], $0x28, $0x38;
	[tilespmem:$0x1F000] =	vst v63  }
.Ltmp10:
0xd1: {  	_ = 	snop;
	(pc) =	sbr.rel .LBB2_11-.Ltmp10, $4  }
0xd2: {  	s26 =	simm.s32 @!p1 $0x17800;
	s15 =	sadd.s32 @!p1 $0xFFFFFFD8, s19;
	s24 =	simm.s32 @!p1 $0x28  }
0xd3: {  	[tilespmem:s26], [sflag:$0x1] =	stream.indirect.gather @!p1 [hbm4b:s1+s24], $0x80, s15, s24, $0xb8;
	[tilespmem:$0x1F000] =	vst v63  }
0xd4: {  	s15 =	simm.s32 @!p1 $0x18C00  }
0xd5: {  	[tilespmem:s15], [sflag:$0x1] =	stream.indirect.gather @!p1 [hbm4b:s1+s24], $0x80, s19, s24, $0xb8;
	[tilespmem:$0x1F000] =	vst v63  }
.LBB2_13:
0xd6: {  	_ =	sfence.sel $0x180000  }
0xd7: {  	[bflag:$0x0] =	sbarrier.arrive $0xFFFF  }
0xd8: {  	_ =	strace $0x90000047  }
0xd9: {  	s0 =	stileid.u32;
	[bflag:$0x2] =	sbarrier.arrive $0xFFFF  }
0xda: {  	p0 =	sne.s32 s0, $0x0;
	s0 =	rddreg [dreg:$0x4]  }
0xdb: {  	s0 =	sadd.s32 @!p0 $0x100000, s0  }
0xdc: {  	[sflag:s0] =	ssyncadd.tile.s32 @!p0 $0x1;
	_ =	shalt  }
.Lfunc_end2:
_tile_overlayer_lowered:
.L_overlay_start_2:
0xdd: {  	(tag) =	ssettag $0x2  }
0xde: {  	s0 =	rddreg [dreg:$0x0];
	s2 =	stileid.u32  }
0xdf: {  	s1 =	rddreg [dreg:$0x1];
	p0 =	sne.s32 s2, $0x0  }
0xe0: {  	s3 =	rddreg [dreg:$0x2];
	[bflag:$0x3] =	sbarrier.arrive $0xFFFF;
	s2 =	simm.s32 @!p0 $0x1C0A  }
0xe1: {  	[timem:s3], [sflag:s2] =	dma.local @!p0 [hbm:s0], s1  }
0xe2: {  	s0 =	simm.s32 @!p0 $0xA  }
0xe3: {  	_ =	swait.ge @!p0 [sflag:s0], s1  }
0xe4: {  	s1 =	ssub.s32 @!p0 $0x0, s1;
	[sflag:s0] =	ssyncset.done @!p0 $0x0  }
0xe5: {  	[sflag:s0] =	ssyncadd.s32 @!p0 s1  }
0xe6: {  	[bflag:$0x3] =	sbarrier.arrive $0xFFFF  }
0xe7: {  	_ =	shalt  }

</sc_bundles>
